<compile_context>
chip_gen: v7x
topology: tpu7x:2x2x1
jax: 0.10.2.dev20260603
libtpu: 0.0.44.dev20260713+nightly
codegen_flags: <defaults>
</compile_context>

<pallas_src>
import functools

import jax
import jax.numpy as jnp
from jax import lax
from jax.experimental import pallas as pl
from jax.experimental.pallas import tpu as pltpu
from jax.experimental.pallas import tpu_sc as plsc

K = 1024
D = 768
B = 4096
TEMP = 1.0
LR = 0.001

BM = 512
BC = 1024

N_CORES = 2
N_SUB = 16
NW = N_CORES * N_SUB
NCOLS = D // NW
RSTAGE = 6


def _assign_body(dp_ref, cbf_ref, c_ref, idx_ref, cn2_ref):
    i = pl.program_id(0)

    @pl.when(i == 0)
    def _():
        c = c_ref[...]
        cn2_ref[...] = lax.dot_general(
            jnp.ones((8, D), jnp.float32), c * c,
            (((1,), (1,)), ((), ())),
            preferred_element_type=jnp.float32,
            precision=lax.Precision.HIGHEST)

    dp = dp_ref[...]
    dots = lax.dot_general(dp.astype(jnp.bfloat16), cbf_ref[...],
                           (((1,), (1,)), ((), ())),
                           preferred_element_type=jnp.float32)
    xn2 = jnp.sum(dp * dp, axis=1, keepdims=True)
    q = xn2 * cn2_ref[0:1, :]
    r = lax.rsqrt(q)
    r = r * (1.5 - 0.5 * q * r * r)
    scale = jnp.where(q < 1e-16, 1e8, r) / TEMP
    score = dots * scale
    m = jnp.max(score, axis=1, keepdims=True)
    iot = lax.broadcasted_iota(jnp.int32, (BM, K), 1)
    cand = jnp.where(score == m, iot, K)
    idx_ref[...] = jnp.min(cand, axis=1, keepdims=True)


def _cluster_body(rows_ref, cols_ref, out_ref):
    bi = pl.program_id(0)
    bj = pl.program_id(1)
    r = rows_ref[...]
    cvec = cols_ref[...]
    eq = jnp.where(r == cvec[None, :], 1.0, 0.0)

    @pl.when(bi == bj)
    def _():
        ii = lax.broadcasted_iota(jnp.int32, (BC, BC), 0)
        jj = lax.broadcasted_iota(jnp.int32, (BC, BC), 1)
        out_ref[...] = jnp.where(ii == jj, 0.0, eq)

    @pl.when(bi != bj)
    def _():
        out_ref[...] = eq


def _sc_scatter_body(dpt_hbm, idx_hbm, zero_hbm, datat_hbm,
                     idx_v, rows_a, rows_b, acc, sem_a, sem_b):
    wid = lax.axis_index("c") * N_SUB + lax.axis_index("s")
    c0 = wid * NCOLS
    pltpu.sync_copy(zero_hbm.at[:], acc)
    pltpu.sync_copy(idx_hbm.at[:], idx_v)

    bufs = (rows_a, rows_b)
    sems = (sem_a, sem_b)
    nstages = NCOLS // RSTAGE
    cps = {}
    cps[0] = pltpu.async_copy(
        dpt_hbm.at[pl.ds(c0 * B, RSTAGE * B)], bufs[0], sems[0])
    for s in range(nstages):
        if s + 1 < nstages:
            cps[s + 1] = pltpu.async_copy(
                dpt_hbm.at[pl.ds((c0 + (s + 1) * RSTAGE) * B, RSTAGE * B)],
                bufs[(s + 1) % 2], sems[(s + 1) % 2])
        cps[s].wait()
        cur = bufs[s % 2]

        def _group(g, _):
            for u in range(4):
                base = g * 64 + u * 16
                kvec = idx_v[pl.ds(base, 16)]
                for cc in range(RSTAGE):
                    vals = cur[pl.ds(cc * B + base, 16)]
                    plsc.addupdate_scatter(
                        acc, [kvec + ((s * RSTAGE + cc) * K)], vals)
            return 0

        lax.fori_loop(0, B // 64, _group, 0)
    pltpu.sync_copy(acc, datat_hbm.at[pl.ds(c0 * K, NCOLS * K)])


def _final_body(datat_ref, c_ref, idx_ref, out_ref):
    iota_k = lax.broadcasted_iota(jnp.int32, (K, 512), 0)
    cnt = jnp.zeros((K, 1), jnp.float32)
    for j in range(B // 512):
        row = idx_ref[j, :]
        eq = jnp.where(iota_k == row[None, :], 1.0, 0.0)
        cnt = cnt + jnp.sum(eq, axis=1, keepdims=True)
    coef = (1.0 - LR) + LR * jnp.where(cnt == 0.0, 1.0, 0.0)
    datat = jnp.reshape(datat_ref[...], (D, K))
    data = jnp.transpose(datat, (1, 0))
    out_ref[...] = LR * data + coef * c_ref[...]


def _assign(datapoints, centroid_bf, centroid):
    return pl.pallas_call(
        _assign_body,
        grid=(B // BM,),
        in_specs=[pl.BlockSpec((BM, D), lambda i: (i, 0)),
                  pl.BlockSpec((K, D), lambda i: (0, 0)),
                  pl.BlockSpec((K, D), lambda i: (0, 0))],
        out_specs=pl.BlockSpec((BM, 1), lambda i: (i, 0)),
        out_shape=jax.ShapeDtypeStruct((B, 1), jnp.int32),
        scratch_shapes=[pltpu.VMEM((8, K), jnp.float32)],
    )(datapoints, centroid_bf, centroid)


def _cluster(idx2d, idx1d):
    return pl.pallas_call(
        _cluster_body,
        grid=(B // BC, B // BC),
        in_specs=[pl.BlockSpec((BC, 1), lambda i, j: (i, 0)),
                  pl.BlockSpec((BC,), lambda i, j: (j,))],
        out_specs=pl.BlockSpec((BC, BC), lambda i, j: (i, j)),
        out_shape=jax.ShapeDtypeStruct((B, B), jnp.float32),
    )(idx2d, idx1d)


@functools.partial(
    pl.kernel,
    out_type=jax.ShapeDtypeStruct((D * K,), jnp.float32),
    mesh=plsc.VectorSubcoreMesh(core_axis_name="c", subcore_axis_name="s",
                                num_cores=N_CORES, num_subcores=N_SUB),
    compiler_params=pltpu.CompilerParams(use_tc_tiling_on_sc=False,
                                         needs_layout_passes=False),
    scratch_types=[
        pltpu.VMEM((B,), jnp.int32),
        pltpu.VMEM((RSTAGE * B,), jnp.float32),
        pltpu.VMEM((RSTAGE * B,), jnp.float32),
        pltpu.VMEM((NCOLS * K,), jnp.float32),
        pltpu.SemaphoreType.DMA,
        pltpu.SemaphoreType.DMA,
    ],
)
def _sc_scatter(dpt_hbm, idx_hbm, zero_hbm, datat_hbm, *rest):
    _sc_scatter_body(dpt_hbm, idx_hbm, zero_hbm, datat_hbm, *rest)


def _final(datat, centroid, idx8):
    return pl.pallas_call(
        _final_body,
        in_specs=[pl.BlockSpec((D * K,), lambda: (0,)),
                  pl.BlockSpec((K, D), lambda: (0, 0)),
                  pl.BlockSpec((B // 512, 512), lambda: (0, 0))],
        out_specs=pl.BlockSpec((K, D), lambda: (0, 0)),
        out_shape=jax.ShapeDtypeStruct((K, D), jnp.float32),
    )(datat, centroid, idx8)


def kernel(datapoints, batch_cos_sim, centroid):
    del batch_cos_sim
    centroid_bf = centroid.astype(jnp.bfloat16)
    idx2d = _assign(datapoints, centroid_bf, centroid)
    idx1d = jnp.reshape(idx2d, (B,))
    dpt = jnp.reshape(jnp.transpose(datapoints, (1, 0)), (D * B,))
    zeros = jnp.zeros((NCOLS * K,), jnp.float32)
    datat = _sc_scatter(dpt, idx1d, zeros)
    dp_cluster = _cluster(idx2d, idx1d)
    new_centroid = _final(datat, centroid,
                          jnp.reshape(idx2d, (B // 512, 512)))
    return (new_centroid, dp_cluster)

# --- scband reference (transcript-rebuilt; emitter-appended) ---
"""Pipeline reference for scband-kmeans-cluster-4612794876725 (READ-ONLY COPY).

The authoritative reference and input builder live on the scoring server;
editing this copy changes nothing except your own understanding.
"""

import jax, jax.numpy as jnp
import numpy as np

K = 1024
D = 768
B = 4096
TEMP = 1.0
LR = 0.001


def setup_inputs(seed: int = 0) -> dict:
    key = jax.random.key(seed)
    k1, k2, k3 = jax.random.split(key, 3)
    datapoints = jax.random.normal(k1, (B, D), dtype=jnp.float32)
    batch_cos_sim = jax.random.normal(k2, (B, B), dtype=jnp.float32)
    centroid = jax.random.normal(k3, (K, D), dtype=jnp.float32) * 0.02
    return {"datapoints": datapoints, "batch_cos_sim": batch_cos_sim, "centroid": centroid}


def _cos_sim(x, y, temp):
    # torch CosineSimilarity(dim=-1) between x[:,None,:] and y[None,:,:]
    xn = jnp.linalg.norm(x, axis=-1)
    yn = jnp.linalg.norm(y, axis=-1)
    dots = x @ y.T
    denom = jnp.maximum(xn[:, None] * yn[None, :], 1e-8)
    return dots / denom / temp


def reference(datapoints, batch_cos_sim, centroid):
    # forward(): datapoints = datapoints.clone().detach()
    dp = jax.lax.stop_gradient(datapoints)
    # intra_cos_sim = sim(dp.unsqueeze(1), centroid.unsqueeze(0)) -> [B, K]
    intra_cos_sim = _cos_sim(dp, centroid, TEMP)
    # dp_index = argmax over centroids
    dp_index = jnp.argmax(intra_cos_sim, axis=-1)
    # _intra_class_adjacency
    onehot_index = jax.nn.one_hot(dp_index, K, dtype=jnp.float32)  # [B, K]
    index_dp = onehot_index.T  # [K, B]
    dp_cluster = onehot_index @ index_dp  # [B, B]
    dp_cluster = dp_cluster * (1.0 - jnp.eye(B, dtype=dp_cluster.dtype))  # fill_diagonal_(0)
    # dp_centroid = gather(centroid, dp_index)
    dp_centroid = jnp.take(centroid, dp_index, axis=0)  # [B, D] (computed as in torch forward)
    # update() with optimization='momentum'
    data = index_dp @ dp  # [K, D] scatter-add of datapoints into clusters
    updated_centroid = jnp.sum(index_dp, axis=-1) > 0  # [K] bool
    data = data + centroid * jnp.logical_not(updated_centroid)[:, None].astype(centroid.dtype)
    new_centroid = LR * data + (1.0 - LR) * centroid
    return (new_centroid, dp_cluster)

if __name__ == "__main__":
    import jax
    _d = setup_inputs()
    print(jax.jit(kernel)(*tuple(_d.values())))

</pallas_src>

<mosaic_0001>
#map = affine_map<(d0, d1) -> (0)>
module attributes {stable_mosaic.version = 14 : i64} {
  func.func @_sc_scatter(%arg0: i32, %arg1: i32, %arg2: memref<3145728xf32, #tpu.memory_space<hbm>>, %arg3: memref<4096xi32, #tpu.memory_space<hbm>>, %arg4: memref<24576xf32, #tpu.memory_space<hbm>>, %arg5: memref<786432xf32, #tpu.memory_space<hbm>>, %arg6: memref<4096xi32, #tpu.memory_space<vmem>>, %arg7: memref<24576xf32, #tpu.memory_space<vmem>>, %arg8: memref<24576xf32, #tpu.memory_space<vmem>>, %arg9: memref<24576xf32, #tpu.memory_space<vmem>>, %arg10: memref<!tpu.dma_semaphore, #tpu.memory_space<semaphore_mem>>, %arg11: memref<!tpu.dma_semaphore, #tpu.memory_space<semaphore_mem>>) attributes {dimension_semantics = [#tpu.dimension_semantics<core_parallel>, #tpu.dimension_semantics<subcore_parallel>], iteration_bounds = array<i64: 2, 16>, scalar_prefetch = 0 : i64, scratch_operands = 6 : i64, tpu.core_type = #tpu.core_type<sc_vector_subcore>, window_params = [{transform_indices = #map}, {transform_indices = #map}, {transform_indices = #map}, {transform_indices = #map}]} {
    %mul3A = arith.constant 16 : i32
    %mul3A_0 = arith.muli %arg0, %mul3A : i32
    %add3A = arith.addi %mul3A_0, %arg1 : i32
    %mul3A_1 = arith.constant 24 : i32
    %mul3A_2 = arith.muli %add3A, %mul3A_1 : i32
    "tpu.region"() ({
      %run_scoped3A = tpu.sem_alloc : memref<!tpu.dma_semaphore, #tpu.memory_space<semaphore_mem>>
      %dma_start3A_60 = arith.constant 0 : i32
      %dma_start3A_61 = tpu.memref_slice %arg4[%dma_start3A_60] : memref<24576xf32, #tpu.memory_space<hbm>> -> memref<24576xf32, #tpu.memory_space<hbm>>
      %dma_start3A_62 = arith.constant 0 : i32
      %dma_start3A_63 = tpu.memref_slice %arg4[%dma_start3A_62] : memref<24576xf32, #tpu.memory_space<hbm>> -> memref<24576xf32, #tpu.memory_space<hbm>>
      tpu.enqueue_dma source(%dma_start3A_63 : memref<24576xf32, #tpu.memory_space<hbm>>) target(%arg9 : memref<24576xf32, #tpu.memory_space<vmem>>) target_semaphore(%run_scoped3A : memref<!tpu.dma_semaphore, #tpu.memory_space<semaphore_mem>>)
      %dma_wait3A_64 = arith.constant 0 : i32
      %dma_wait3A_65 = tpu.memref_slice %arg4[%dma_wait3A_64] : memref<24576xf32, #tpu.memory_space<hbm>> -> memref<24576xf32, #tpu.memory_space<hbm>>
      %dma_wait3A_66 = arith.constant 0 : i32
      %dma_wait3A_67 = tpu.memref_slice %arg4[%dma_wait3A_66] : memref<24576xf32, #tpu.memory_space<hbm>> -> memref<24576xf32, #tpu.memory_space<hbm>>
      tpu.wait_dma2 semaphore(%run_scoped3A : memref<!tpu.dma_semaphore, #tpu.memory_space<semaphore_mem>>) src(%dma_wait3A_67 : memref<24576xf32, #tpu.memory_space<hbm>>) dst(%arg9 : memref<24576xf32, #tpu.memory_space<vmem>>)
      tpu.yield
    }) : () -> ()
    "tpu.region"() ({
      %run_scoped3A = tpu.sem_alloc : memref<!tpu.dma_semaphore, #tpu.memory_space<semaphore_mem>>
      %dma_start3A_60 = arith.constant 0 : i32
      %dma_start3A_61 = tpu.memref_slice %arg3[%dma_start3A_60] : memref<4096xi32, #tpu.memory_space<hbm>> -> memref<4096xi32, #tpu.memory_space<hbm>>
      %dma_start3A_62 = arith.constant 0 : i32
      %dma_start3A_63 = tpu.memref_slice %arg3[%dma_start3A_62] : memref<4096xi32, #tpu.memory_space<hbm>> -> memref<4096xi32, #tpu.memory_space<hbm>>
      tpu.enqueue_dma source(%dma_start3A_63 : memref<4096xi32, #tpu.memory_space<hbm>>) target(%arg6 : memref<4096xi32, #tpu.memory_space<vmem>>) target_semaphore(%run_scoped3A : memref<!tpu.dma_semaphore, #tpu.memory_space<semaphore_mem>>)
      %dma_wait3A_64 = arith.constant 0 : i32
      %dma_wait3A_65 = tpu.memref_slice %arg3[%dma_wait3A_64] : memref<4096xi32, #tpu.memory_space<hbm>> -> memref<4096xi32, #tpu.memory_space<hbm>>
      %dma_wait3A_66 = arith.constant 0 : i32
      %dma_wait3A_67 = tpu.memref_slice %arg3[%dma_wait3A_66] : memref<4096xi32, #tpu.memory_space<hbm>> -> memref<4096xi32, #tpu.memory_space<hbm>>
      tpu.wait_dma2 semaphore(%run_scoped3A : memref<!tpu.dma_semaphore, #tpu.memory_space<semaphore_mem>>) src(%dma_wait3A_67 : memref<4096xi32, #tpu.memory_space<hbm>>) dst(%arg6 : memref<4096xi32, #tpu.memory_space<vmem>>)
      tpu.yield
    }) : () -> ()
    %mul3A_3 = arith.constant 4096 : i32
    %mul3A_4 = arith.muli %mul3A_2, %mul3A_3 : i32
    %dma_start3A = tpu.memref_slice %arg2[%mul3A_4] : memref<3145728xf32, #tpu.memory_space<hbm>> -> memref<24576xf32, #tpu.memory_space<hbm>>
    %dma_start3A_5 = tpu.memref_slice %arg2[%mul3A_4] : memref<3145728xf32, #tpu.memory_space<hbm>> -> memref<24576xf32, #tpu.memory_space<hbm>>
    tpu.enqueue_dma source(%dma_start3A_5 : memref<24576xf32, #tpu.memory_space<hbm>>) target(%arg7 : memref<24576xf32, #tpu.memory_space<vmem>>) target_semaphore(%arg10 : memref<!tpu.dma_semaphore, #tpu.memory_space<semaphore_mem>>)
    %add3A_6 = arith.constant 6 : i32
    %add3A_7 = arith.addi %mul3A_2, %add3A_6 : i32
    %mul3A_8 = arith.constant 4096 : i32
    %mul3A_9 = arith.muli %add3A_7, %mul3A_8 : i32
    %dma_start3A_10 = tpu.memref_slice %arg2[%mul3A_9] : memref<3145728xf32, #tpu.memory_space<hbm>> -> memref<24576xf32, #tpu.memory_space<hbm>>
    %dma_start3A_11 = tpu.memref_slice %arg2[%mul3A_9] : memref<3145728xf32, #tpu.memory_space<hbm>> -> memref<24576xf32, #tpu.memory_space<hbm>>
    tpu.enqueue_dma source(%dma_start3A_11 : memref<24576xf32, #tpu.memory_space<hbm>>) target(%arg8 : memref<24576xf32, #tpu.memory_space<vmem>>) target_semaphore(%arg11 : memref<!tpu.dma_semaphore, #tpu.memory_space<semaphore_mem>>)
    %dma_wait3A = tpu.memref_slice %arg2[%mul3A_4] : memref<3145728xf32, #tpu.memory_space<hbm>> -> memref<24576xf32, #tpu.memory_space<hbm>>
    %dma_wait3A_12 = tpu.memref_slice %arg2[%mul3A_4] : memref<3145728xf32, #tpu.memory_space<hbm>> -> memref<24576xf32, #tpu.memory_space<hbm>>
    tpu.wait_dma2 semaphore(%arg10 : memref<!tpu.dma_semaphore, #tpu.memory_space<semaphore_mem>>) src(%dma_wait3A_12 : memref<24576xf32, #tpu.memory_space<hbm>>) dst(%arg7 : memref<24576xf32, #tpu.memory_space<vmem>>)
    %scan3A = arith.constant 0 : i32
    %scan3A_13 = arith.constant 0 : i32
    %scan3A_14 = arith.constant 64 : i32
    %scan3A_15 = arith.addi %scan3A_13, %scan3A_14 : i32
    %scan3A_16 = arith.constant 1 : i32
    %scan3A_17 = scf.for %scan3A_60 = %scan3A_13 to %scan3A_15 step %scan3A_16 iter_args(%scan3A_61 = %scan3A) -> (i32)  : i32 {
      %mul3A_62 = arith.constant 64 : i32
      %mul3A_63 = arith.muli %scan3A_60, %mul3A_62 : i32
      %add3A_64 = arith.constant 0 : i32
      %add3A_65 = arith.addi %mul3A_63, %add3A_64 : i32
      %get3A = arith.index_cast %add3A_65 : i32 to index
      %get3A_66 = tpu.vector_load %arg6[%get3A] {strides = array<i32>} : memref<4096xi32, #tpu.memory_space<vmem>>, vector<16xi32>,
      %add3A_67 = arith.constant 0 : i32
      %add3A_68 = arith.addi %add3A_67, %add3A_65 : i32
      %get3A_69 = arith.index_cast %add3A_68 : i32 to index
      %get3A_70 = tpu.vector_load %arg7[%get3A_69] {strides = array<i32>} : memref<24576xf32, #tpu.memory_space<vmem>>, vector<16xf32>,
      %add3A_71 = arith.constant 0 : i32
      %add3A_72 = vector.broadcast %add3A_71 : i32 to vector<16xi32>
      %add3A_73 = arith.addi %get3A_66, %add3A_72 : vector<16xi32>
      tpu.vector_store_idx %arg9[%add3A_73], %get3A_70 {add = true} : memref<24576xf32, #tpu.memory_space<vmem>>[vector<16xi32>], vector<16xf32>,
      %add3A_74 = arith.constant 4096 : i32
      %add3A_75 = arith.addi %add3A_74, %add3A_65 : i32
      %get3A_76 = arith.index_cast %add3A_75 : i32 to index
      %get3A_77 = tpu.vector_load %arg7[%get3A_76] {strides = array<i32>} : memref<24576xf32, #tpu.memory_space<vmem>>, vector<16xf32>,
      %add3A_78 = arith.constant 1024 : i32
      %add3A_79 = vector.broadcast %add3A_78 : i32 to vector<16xi32>
      %add3A_80 = arith.addi %get3A_66, %add3A_79 : vector<16xi32>
      tpu.vector_store_idx %arg9[%add3A_80], %get3A_77 {add = true} : memref<24576xf32, #tpu.memory_space<vmem>>[vector<16xi32>], vector<16xf32>,
      %add3A_81 = arith.constant 8192 : i32
      %add3A_82 = arith.addi %add3A_81, %add3A_65 : i32
      %get3A_83 = arith.index_cast %add3A_82 : i32 to index
      %get3A_84 = tpu.vector_load %arg7[%get3A_83] {strides = array<i32>} : memref<24576xf32, #tpu.memory_space<vmem>>, vector<16xf32>,
      %add3A_85 = arith.constant 2048 : i32
      %add3A_86 = vector.broadcast %add3A_85 : i32 to vector<16xi32>
      %add3A_87 = arith.addi %get3A_66, %add3A_86 : vector<16xi32>
      tpu.vector_store_idx %arg9[%add3A_87], %get3A_84 {add = true} : memref<24576xf32, #tpu.memory_space<vmem>>[vector<16xi32>], vector<16xf32>,
      %add3A_88 = arith.constant 12288 : i32
      %add3A_89 = arith.addi %add3A_88, %add3A_65 : i32
      %get3A_90 = arith.index_cast %add3A_89 : i32 to index
      %get3A_91 = tpu.vector_load %arg7[%get3A_90] {strides = array<i32>} : memref<24576xf32, #tpu.memory_space<vmem>>, vector<16xf32>,
      %add3A_92 = arith.constant 3072 : i32
      %add3A_93 = vector.broadcast %add3A_92 : i32 to vector<16xi32>
      %add3A_94 = arith.addi %get3A_66, %add3A_93 : vector<16xi32>
      tpu.vector_store_idx %arg9[%add3A_94], %get3A_91 {add = true} : memref<24576xf32, #tpu.memory_space<vmem>>[vector<16xi32>], vector<16xf32>,
      %add3A_95 = arith.constant 16384 : i32
      %add3A_96 = arith.addi %add3A_95, %add3A_65 : i32
      %get3A_97 = arith.index_cast %add3A_96 : i32 to index
      %get3A_98 = tpu.vector_load %arg7[%get3A_97] {strides = array<i32>} : memref<24576xf32, #tpu.memory_space<vmem>>, vector<16xf32>,
      %add3A_99 = arith.constant 4096 : i32
      %add3A_100 = vector.broadcast %add3A_99 : i32 to vector<16xi32>
      %add3A_101 = arith.addi %get3A_66, %add3A_100 : vector<16xi32>
      tpu.vector_store_idx %arg9[%add3A_101], %get3A_98 {add = true} : memref<24576xf32, #tpu.memory_space<vmem>>[vector<16xi32>], vector<16xf32>,
      %add3A_102 = arith.constant 20480 : i32
      %add3A_103 = arith.addi %add3A_102, %add3A_65 : i32
      %get3A_104 = arith.index_cast %add3A_103 : i32 to index
      %get3A_105 = tpu.vector_load %arg7[%get3A_104] {strides = array<i32>} : memref<24576xf32, #tpu.memory_space<vmem>>, vector<16xf32>,
      %add3A_106 = arith.constant 5120 : i32
      %add3A_107 = vector.broadcast %add3A_106 : i32 to vector<16xi32>
      %add3A_108 = arith.addi %get3A_66, %add3A_107 : vector<16xi32>
      tpu.vector_store_idx %arg9[%add3A_108], %get3A_105 {add = true} : memref<24576xf32, #tpu.memory_space<vmem>>[vector<16xi32>], vector<16xf32>,
      %mul3A_109 = arith.constant 64 : i32
      %mul3A_110 = arith.muli %scan3A_60, %mul3A_109 : i32
      %add3A_111 = arith.constant 16 : i32
      %add3A_112 = arith.addi %mul3A_110, %add3A_111 : i32
      %get3A_113 = arith.index_cast %add3A_112 : i32 to index
      %get3A_114 = tpu.vector_load %arg6[%get3A_113] {strides = array<i32>} : memref<4096xi32, #tpu.memory_space<vmem>>, vector<16xi32>,
      %add3A_115 = arith.constant 0 : i32
      %add3A_116 = arith.addi %add3A_115, %add3A_112 : i32
      %get3A_117 = arith.index_cast %add3A_116 : i32 to index
      %get3A_118 = tpu.vector_load %arg7[%get3A_117] {strides = array<i32>} : memref<24576xf32, #tpu.memory_space<vmem>>, vector<16xf32>,
      %add3A_119 = arith.constant 0 : i32
      %add3A_120 = vector.broadcast %add3A_119 : i32 to vector<16xi32>
      %add3A_121 = arith.addi %get3A_114, %add3A_120 : vector<16xi32>
      tpu.vector_store_idx %arg9[%add3A_121], %get3A_118 {add = true} : memref<24576xf32, #tpu.memory_space<vmem>>[vector<16xi32>], vector<16xf32>,
      %add3A_122 = arith.constant 4096 : i32
      %add3A_123 = arith.addi %add3A_122, %add3A_112 : i32
      %get3A_124 = arith.index_cast %add3A_123 : i32 to index
      %get3A_125 = tpu.vector_load %arg7[%get3A_124] {strides = array<i32>} : memref<24576xf32, #tpu.memory_space<vmem>>, vector<16xf32>,
      %add3A_126 = arith.constant 1024 : i32
      %add3A_127 = vector.broadcast %add3A_126 : i32 to vector<16xi32>
      %add3A_128 = arith.addi %get3A_114, %add3A_127 : vector<16xi32>
      tpu.vector_store_idx %arg9[%add3A_128], %get3A_125 {add = true} : memref<24576xf32, #tpu.memory_space<vmem>>[vector<16xi32>], vector<16xf32>,
      %add3A_129 = arith.constant 8192 : i32
      %add3A_130 = arith.addi %add3A_129, %add3A_112 : i32
      %get3A_131 = arith.index_cast %add3A_130 : i32 to index
      %get3A_132 = tpu.vector_load %arg7[%get3A_131] {strides = array<i32>} : memref<24576xf32, #tpu.memory_space<vmem>>, vector<16xf32>,
      %add3A_133 = arith.constant 2048 : i32
      %add3A_134 = vector.broadcast %add3A_133 : i32 to vector<16xi32>
      %add3A_135 = arith.addi %get3A_114, %add3A_134 : vector<16xi32>
      tpu.vector_store_idx %arg9[%add3A_135], %get3A_132 {add = true} : memref<24576xf32, #tpu.memory_space<vmem>>[vector<16xi32>], vector<16xf32>,
      %add3A_136 = arith.constant 12288 : i32
      %add3A_137 = arith.addi %add3A_136, %add3A_112 : i32
      %get3A_138 = arith.index_cast %add3A_137 : i32 to index
      %get3A_139 = tpu.vector_load %arg7[%get3A_138] {strides = array<i32>} : memref<24576xf32, #tpu.memory_space<vmem>>, vector<16xf32>,
      %add3A_140 = arith.constant 3072 : i32
      %add3A_141 = vector.broadcast %add3A_140 : i32 to vector<16xi32>
      %add3A_142 = arith.addi %get3A_114, %add3A_141 : vector<16xi32>
      tpu.vector_store_idx %arg9[%add3A_142], %get3A_139 {add = true} : memref<24576xf32, #tpu.memory_space<vmem>>[vector<16xi32>], vector<16xf32>,
      %add3A_143 = arith.constant 16384 : i32
      %add3A_144 = arith.addi %add3A_143, %add3A_112 : i32
      %get3A_145 = arith.index_cast %add3A_144 : i32 to index
      %get3A_146 = tpu.vector_load %arg7[%get3A_145] {strides = array<i32>} : memref<24576xf32, #tpu.memory_space<vmem>>, vector<16xf32>,
      %add3A_147 = arith.constant 4096 : i32
      %add3A_148 = vector.broadcast %add3A_147 : i32 to vector<16xi32>
      %add3A_149 = arith.addi %get3A_114, %add3A_148 : vector<16xi32>
      tpu.vector_store_idx %arg9[%add3A_149], %get3A_146 {add = true} : memref<24576xf32, #tpu.memory_space<vmem>>[vector<16xi32>], vector<16xf32>,
      %add3A_150 = arith.constant 20480 : i32
      %add3A_151 = arith.addi %add3A_150, %add3A_112 : i32
      %get3A_152 = arith.index_cast %add3A_151 : i32 to index
      %get3A_153 = tpu.vector_load %arg7[%get3A_152] {strides = array<i32>} : memref<24576xf32, #tpu.memory_space<vmem>>, vector<16xf32>,
      %add3A_154 = arith.constant 5120 : i32
      %add3A_155 = vector.broadcast %add3A_154 : i32 to vector<16xi32>
      %add3A_156 = arith.addi %get3A_114, %add3A_155 : vector<16xi32>
      tpu.vector_store_idx %arg9[%add3A_156], %get3A_153 {add = true} : memref<24576xf32, #tpu.memory_space<vmem>>[vector<16xi32>], vector<16xf32>,
      %mul3A_157 = arith.constant 64 : i32
      %mul3A_158 = arith.muli %scan3A_60, %mul3A_157 : i32
      %add3A_159 = arith.constant 32 : i32
      %add3A_160 = arith.addi %mul3A_158, %add3A_159 : i32
      %get3A_161 = arith.index_cast %add3A_160 : i32 to index
      %get3A_162 = tpu.vector_load %arg6[%get3A_161] {strides = array<i32>} : memref<4096xi32, #tpu.memory_space<vmem>>, vector<16xi32>,
      %add3A_163 = arith.constant 0 : i32
      %add3A_164 = arith.addi %add3A_163, %add3A_160 : i32
      %get3A_165 = arith.index_cast %add3A_164 : i32 to index
      %get3A_166 = tpu.vector_load %arg7[%get3A_165] {strides = array<i32>} : memref<24576xf32, #tpu.memory_space<vmem>>, vector<16xf32>,
      %add3A_167 = arith.constant 0 : i32
      %add3A_168 = vector.broadcast %add3A_167 : i32 to vector<16xi32>
      %add3A_169 = arith.addi %get3A_162, %add3A_168 : vector<16xi32>
      tpu.vector_store_idx %arg9[%add3A_169], %get3A_166 {add = true} : memref<24576xf32, #tpu.memory_space<vmem>>[vector<16xi32>], vector<16xf32>,
      %add3A_170 = arith.constant 4096 : i32
      %add3A_171 = arith.addi %add3A_170, %add3A_160 : i32
      %get3A_172 = arith.index_cast %add3A_171 : i32 to index
      %get3A_173 = tpu.vector_load %arg7[%get3A_172] {strides = array<i32>} : memref<24576xf32, #tpu.memory_space<vmem>>, vector<16xf32>,
      %add3A_174 = arith.constant 1024 : i32
      %add3A_175 = vector.broadcast %add3A_174 : i32 to vector<16xi32>
      %add3A_176 = arith.addi %get3A_162, %add3A_175 : vector<16xi32>
      tpu.vector_store_idx %arg9[%add3A_176], %get3A_173 {add = true} : memref<24576xf32, #tpu.memory_space<vmem>>[vector<16xi32>], vector<16xf32>,
      %add3A_177 = arith.constant 8192 : i32
      %add3A_178 = arith.addi %add3A_177, %add3A_160 : i32
      %get3A_179 = arith.index_cast %add3A_178 : i32 to index
      %get3A_180 = tpu.vector_load %arg7[%get3A_179] {strides = array<i32>} : memref<24576xf32, #tpu.memory_space<vmem>>, vector<16xf32>,
      %add3A_181 = arith.constant 2048 : i32
      %add3A_182 = vector.broadcast %add3A_181 : i32 to vector<16xi32>
      %add3A_183 = arith.addi %get3A_162, %add3A_182 : vector<16xi32>
      tpu.vector_store_idx %arg9[%add3A_183], %get3A_180 {add = true} : memref<24576xf32, #tpu.memory_space<vmem>>[vector<16xi32>], vector<16xf32>,
      %add3A_184 = arith.constant 12288 : i32
      %add3A_185 = arith.addi %add3A_184, %add3A_160 : i32
      %get3A_186 = arith.index_cast %add3A_185 : i32 to index
      %get3A_187 = tpu.vector_load %arg7[%get3A_186] {strides = array<i32>} : memref<24576xf32, #tpu.memory_space<vmem>>, vector<16xf32>,
      %add3A_188 = arith.constant 3072 : i32
      %add3A_189 = vector.broadcast %add3A_188 : i32 to vector<16xi32>
      %add3A_190 = arith.addi %get3A_162, %add3A_189 : vector<16xi32>
      tpu.vector_store_idx %arg9[%add3A_190], %get3A_187 {add = true} : memref<24576xf32, #tpu.memory_space<vmem>>[vector<16xi32>], vector<16xf32>,
      %add3A_191 = arith.constant 16384 : i32
      %add3A_192 = arith.addi %add3A_191, %add3A_160 : i32
      %get3A_193 = arith.index_cast %add3A_192 : i32 to index
      %get3A_194 = tpu.vector_load %arg7[%get3A_193] {strides = array<i32>} : memref<24576xf32, #tpu.memory_space<vmem>>, vector<16xf32>,
      %add3A_195 = arith.constant 4096 : i32
      %add3A_196 = vector.broadcast %add3A_195 : i32 to vector<16xi32>
      %add3A_197 = arith.addi %get3A_162, %add3A_196 : vector<16xi32>
      tpu.vector_store_idx %arg9[%add3A_197], %get3A_194 {add = true} : memref<24576xf32, #tpu.memory_space<vmem>>[vector<16xi32>], vector<16xf32>,
      %add3A_198 = arith.constant 20480 : i32
      %add3A_199 = arith.addi %add3A_198, %add3A_160 : i32
      %get3A_200 = arith.index_cast %add3A_199 : i32 to index
      %get3A_201 = tpu.vector_load %arg7[%get3A_200] {strides = array<i32>} : memref<24576xf32, #tpu.memory_space<vmem>>, vector<16xf32>,
      %add3A_202 = arith.constant 5120 : i32
      %add3A_203 = vector.broadcast %add3A_202 : i32 to vector<16xi32>
      %add3A_204 = arith.addi %get3A_162, %add3A_203 : vector<16xi32>
      tpu.vector_store_idx %arg9[%add3A_204], %get3A_201 {add = true} : memref<24576xf32, #tpu.memory_space<vmem>>[vector<16xi32>], vector<16xf32>,
      %mul3A_205 = arith.constant 64 : i32
      %mul3A_206 = arith.muli %scan3A_60, %mul3A_205 : i32
      %add3A_207 = arith.constant 48 : i32
      %add3A_208 = arith.addi %mul3A_206, %add3A_207 : i32
      %get3A_209 = arith.index_cast %add3A_208 : i32 to index
      %get3A_210 = tpu.vector_load %arg6[%get3A_209] {strides = array<i32>} : memref<4096xi32, #tpu.memory_space<vmem>>, vector<16xi32>,
      %add3A_211 = arith.constant 0 : i32
      %add3A_212 = arith.addi %add3A_211, %add3A_208 : i32
      %get3A_213 = arith.index_cast %add3A_212 : i32 to index
      %get3A_214 = tpu.vector_load %arg7[%get3A_213] {strides = array<i32>} : memref<24576xf32, #tpu.memory_space<vmem>>, vector<16xf32>,
      %add3A_215 = arith.constant 0 : i32
      %add3A_216 = vector.broadcast %add3A_215 : i32 to vector<16xi32>
      %add3A_217 = arith.addi %get3A_210, %add3A_216 : vector<16xi32>
      tpu.vector_store_idx %arg9[%add3A_217], %get3A_214 {add = true} : memref<24576xf32, #tpu.memory_space<vmem>>[vector<16xi32>], vector<16xf32>,
      %add3A_218 = arith.constant 4096 : i32
      %add3A_219 = arith.addi %add3A_218, %add3A_208 : i32
      %get3A_220 = arith.index_cast %add3A_219 : i32 to index
      %get3A_221 = tpu.vector_load %arg7[%get3A_220] {strides = array<i32>} : memref<24576xf32, #tpu.memory_space<vmem>>, vector<16xf32>,
      %add3A_222 = arith.constant 1024 : i32
      %add3A_223 = vector.broadcast %add3A_222 : i32 to vector<16xi32>
      %add3A_224 = arith.addi %get3A_210, %add3A_223 : vector<16xi32>
      tpu.vector_store_idx %arg9[%add3A_224], %get3A_221 {add = true} : memref<24576xf32, #tpu.memory_space<vmem>>[vector<16xi32>], vector<16xf32>,
      %add3A_225 = arith.constant 8192 : i32
      %add3A_226 = arith.addi %add3A_225, %add3A_208 : i32
      %get3A_227 = arith.index_cast %add3A_226 : i32 to index
      %get3A_228 = tpu.vector_load %arg7[%get3A_227] {strides = array<i32>} : memref<24576xf32, #tpu.memory_space<vmem>>, vector<16xf32>,
      %add3A_229 = arith.constant 2048 : i32
      %add3A_230 = vector.broadcast %add3A_229 : i32 to vector<16xi32>
      %add3A_231 = arith.addi %get3A_210, %add3A_230 : vector<16xi32>
      tpu.vector_store_idx %arg9[%add3A_231], %get3A_228 {add = true} : memref<24576xf32, #tpu.memory_space<vmem>>[vector<16xi32>], vector<16xf32>,
      %add3A_232 = arith.constant 12288 : i32
      %add3A_233 = arith.addi %add3A_232, %add3A_208 : i32
      %get3A_234 = arith.index_cast %add3A_233 : i32 to index
      %get3A_235 = tpu.vector_load %arg7[%get3A_234] {strides = array<i32>} : memref<24576xf32, #tpu.memory_space<vmem>>, vector<16xf32>,
      %add3A_236 = arith.constant 3072 : i32
      %add3A_237 = vector.broadcast %add3A_236 : i32 to vector<16xi32>
      %add3A_238 = arith.addi %get3A_210, %add3A_237 : vector<16xi32>
      tpu.vector_store_idx %arg9[%add3A_238], %get3A_235 {add = true} : memref<24576xf32, #tpu.memory_space<vmem>>[vector<16xi32>], vector<16xf32>,
      %add3A_239 = arith.constant 16384 : i32
      %add3A_240 = arith.addi %add3A_239, %add3A_208 : i32
      %get3A_241 = arith.index_cast %add3A_240 : i32 to index
      %get3A_242 = tpu.vector_load %arg7[%get3A_241] {strides = array<i32>} : memref<24576xf32, #tpu.memory_space<vmem>>, vector<16xf32>,
      %add3A_243 = arith.constant 4096 : i32
      %add3A_244 = vector.broadcast %add3A_243 : i32 to vector<16xi32>
      %add3A_245 = arith.addi %get3A_210, %add3A_244 : vector<16xi32>
      tpu.vector_store_idx %arg9[%add3A_245], %get3A_242 {add = true} : memref<24576xf32, #tpu.memory_space<vmem>>[vector<16xi32>], vector<16xf32>,
      %add3A_246 = arith.constant 20480 : i32
      %add3A_247 = arith.addi %add3A_246, %add3A_208 : i32
      %get3A_248 = arith.index_cast %add3A_247 : i32 to index
      %get3A_249 = tpu.vector_load %arg7[%get3A_248] {strides = array<i32>} : memref<24576xf32, #tpu.memory_space<vmem>>, vector<16xf32>,
      %add3A_250 = arith.constant 5120 : i32
      %add3A_251 = vector.broadcast %add3A_250 : i32 to vector<16xi32>
      %add3A_252 = arith.addi %get3A_210, %add3A_251 : vector<16xi32>
      tpu.vector_store_idx %arg9[%add3A_252], %get3A_249 {add = true} : memref<24576xf32, #tpu.memory_space<vmem>>[vector<16xi32>], vector<16xf32>,
      %scan3A_253 = arith.constant 0 : i32
      scf.yield %scan3A_253 : i32
    }
    %scan3A_18 = arith.constant 64 : i32
    %add3A_19 = arith.constant 12 : i32
    %add3A_20 = arith.addi %mul3A_2, %add3A_19 : i32
    %mul3A_21 = arith.constant 4096 : i32
    %mul3A_22 = arith.muli %add3A_20, %mul3A_21 : i32
    %dma_start3A_23 = tpu.memref_slice %arg2[%mul3A_22] : memref<3145728xf32, #tpu.memory_space<hbm>> -> memref<24576xf32, #tpu.memory_space<hbm>>
    %dma_start3A_24 = tpu.memref_slice %arg2[%mul3A_22] : memref<3145728xf32, #tpu.memory_space<hbm>> -> memref<24576xf32, #tpu.memory_space<hbm>>
    tpu.enqueue_dma source(%dma_start3A_24 : memref<24576xf32, #tpu.memory_space<hbm>>) target(%arg7 : memref<24576xf32, #tpu.memory_space<vmem>>) target_semaphore(%arg10 : memref<!tpu.dma_semaphore, #tpu.memory_space<semaphore_mem>>)
    %dma_wait3A_25 = tpu.memref_slice %arg2[%mul3A_9] : memref<3145728xf32, #tpu.memory_space<hbm>> -> memref<24576xf32, #tpu.memory_space<hbm>>
    %dma_wait3A_26 = tpu.memref_slice %arg2[%mul3A_9] : memref<3145728xf32, #tpu.memory_space<hbm>> -> memref<24576xf32, #tpu.memory_space<hbm>>
    tpu.wait_dma2 semaphore(%arg11 : memref<!tpu.dma_semaphore, #tpu.memory_space<semaphore_mem>>) src(%dma_wait3A_26 : memref<24576xf32, #tpu.memory_space<hbm>>) dst(%arg8 : memref<24576xf32, #tpu.memory_space<vmem>>)
    %scan3A_27 = arith.constant 0 : i32
    %scan3A_28 = arith.constant 0 : i32
    %scan3A_29 = arith.constant 64 : i32
    %scan3A_30 = arith.addi %scan3A_28, %scan3A_29 : i32
    %scan3A_31 = arith.constant 1 : i32
    %scan3A_32 = scf.for %scan3A_60 = %scan3A_28 to %scan3A_30 step %scan3A_31 iter_args(%scan3A_61 = %scan3A_27) -> (i32)  : i32 {
      %mul3A_62 = arith.constant 64 : i32
      %mul3A_63 = arith.muli %scan3A_60, %mul3A_62 : i32
      %add3A_64 = arith.constant 0 : i32
      %add3A_65 = arith.addi %mul3A_63, %add3A_64 : i32
      %get3A = arith.index_cast %add3A_65 : i32 to index
      %get3A_66 = tpu.vector_load %arg6[%get3A] {strides = array<i32>} : memref<4096xi32, #tpu.memory_space<vmem>>, vector<16xi32>,
      %add3A_67 = arith.constant 0 : i32
      %add3A_68 = arith.addi %add3A_67, %add3A_65 : i32
      %get3A_69 = arith.index_cast %add3A_68 : i32 to index
      %get3A_70 = tpu.vector_load %arg8[%get3A_69] {strides = array<i32>} : memref<24576xf32, #tpu.memory_space<vmem>>, vector<16xf32>,
      %add3A_71 = arith.constant 6144 : i32
      %add3A_72 = vector.broadcast %add3A_71 : i32 to vector<16xi32>
      %add3A_73 = arith.addi %get3A_66, %add3A_72 : vector<16xi32>
      tpu.vector_store_idx %arg9[%add3A_73], %get3A_70 {add = true} : memref<24576xf32, #tpu.memory_space<vmem>>[vector<16xi32>], vector<16xf32>,
      %add3A_74 = arith.constant 4096 : i32
      %add3A_75 = arith.addi %add3A_74, %add3A_65 : i32
      %get3A_76 = arith.index_cast %add3A_75 : i32 to index
      %get3A_77 = tpu.vector_load %arg8[%get3A_76] {strides = array<i32>} : memref<24576xf32, #tpu.memory_space<vmem>>, vector<16xf32>,
      %add3A_78 = arith.constant 7168 : i32
      %add3A_79 = vector.broadcast %add3A_78 : i32 to vector<16xi32>
      %add3A_80 = arith.addi %get3A_66, %add3A_79 : vector<16xi32>
      tpu.vector_store_idx %arg9[%add3A_80], %get3A_77 {add = true} : memref<24576xf32, #tpu.memory_space<vmem>>[vector<16xi32>], vector<16xf32>,
      %add3A_81 = arith.constant 8192 : i32
      %add3A_82 = arith.addi %add3A_81, %add3A_65 : i32
      %get3A_83 = arith.index_cast %add3A_82 : i32 to index
      %get3A_84 = tpu.vector_load %arg8[%get3A_83] {strides = array<i32>} : memref<24576xf32, #tpu.memory_space<vmem>>, vector<16xf32>,
      %add3A_85 = arith.constant 8192 : i32
      %add3A_86 = vector.broadcast %add3A_85 : i32 to vector<16xi32>
      %add3A_87 = arith.addi %get3A_66, %add3A_86 : vector<16xi32>
      tpu.vector_store_idx %arg9[%add3A_87], %get3A_84 {add = true} : memref<24576xf32, #tpu.memory_space<vmem>>[vector<16xi32>], vector<16xf32>,
      %add3A_88 = arith.constant 12288 : i32
      %add3A_89 = arith.addi %add3A_88, %add3A_65 : i32
      %get3A_90 = arith.index_cast %add3A_89 : i32 to index
      %get3A_91 = tpu.vector_load %arg8[%get3A_90] {strides = array<i32>} : memref<24576xf32, #tpu.memory_space<vmem>>, vector<16xf32>,
      %add3A_92 = arith.constant 9216 : i32
      %add3A_93 = vector.broadcast %add3A_92 : i32 to vector<16xi32>
      %add3A_94 = arith.addi %get3A_66, %add3A_93 : vector<16xi32>
      tpu.vector_store_idx %arg9[%add3A_94], %get3A_91 {add = true} : memref<24576xf32, #tpu.memory_space<vmem>>[vector<16xi32>], vector<16xf32>,
      %add3A_95 = arith.constant 16384 : i32
      %add3A_96 = arith.addi %add3A_95, %add3A_65 : i32
      %get3A_97 = arith.index_cast %add3A_96 : i32 to index
      %get3A_98 = tpu.vector_load %arg8[%get3A_97] {strides = array<i32>} : memref<24576xf32, #tpu.memory_space<vmem>>, vector<16xf32>,
      %add3A_99 = arith.constant 10240 : i32
      %add3A_100 = vector.broadcast %add3A_99 : i32 to vector<16xi32>
      %add3A_101 = arith.addi %get3A_66, %add3A_100 : vector<16xi32>
      tpu.vector_store_idx %arg9[%add3A_101], %get3A_98 {add = true} : memref<24576xf32, #tpu.memory_space<vmem>>[vector<16xi32>], vector<16xf32>,
      %add3A_102 = arith.constant 20480 : i32
      %add3A_103 = arith.addi %add3A_102, %add3A_65 : i32
      %get3A_104 = arith.index_cast %add3A_103 : i32 to index
      %get3A_105 = tpu.vector_load %arg8[%get3A_104] {strides = array<i32>} : memref<24576xf32, #tpu.memory_space<vmem>>, vector<16xf32>,
      %add3A_106 = arith.constant 11264 : i32
      %add3A_107 = vector.broadcast %add3A_106 : i32 to vector<16xi32>
      %add3A_108 = arith.addi %get3A_66, %add3A_107 : vector<16xi32>
      tpu.vector_store_idx %arg9[%add3A_108], %get3A_105 {add = true} : memref<24576xf32, #tpu.memory_space<vmem>>[vector<16xi32>], vector<16xf32>,
      %mul3A_109 = arith.constant 64 : i32
      %mul3A_110 = arith.muli %scan3A_60, %mul3A_109 : i32
      %add3A_111 = arith.constant 16 : i32
      %add3A_112 = arith.addi %mul3A_110, %add3A_111 : i32
      %get3A_113 = arith.index_cast %add3A_112 : i32 to index
      %get3A_114 = tpu.vector_load %arg6[%get3A_113] {strides = array<i32>} : memref<4096xi32, #tpu.memory_space<vmem>>, vector<16xi32>,
      %add3A_115 = arith.constant 0 : i32
      %add3A_116 = arith.addi %add3A_115, %add3A_112 : i32
      %get3A_117 = arith.index_cast %add3A_116 : i32 to index
      %get3A_118 = tpu.vector_load %arg8[%get3A_117] {strides = array<i32>} : memref<24576xf32, #tpu.memory_space<vmem>>, vector<16xf32>,
      %add3A_119 = arith.constant 6144 : i32
      %add3A_120 = vector.broadcast %add3A_119 : i32 to vector<16xi32>
      %add3A_121 = arith.addi %get3A_114, %add3A_120 : vector<16xi32>
      tpu.vector_store_idx %arg9[%add3A_121], %get3A_118 {add = true} : memref<24576xf32, #tpu.memory_space<vmem>>[vector<16xi32>], vector<16xf32>,
      %add3A_122 = arith.constant 4096 : i32
      %add3A_123 = arith.addi %add3A_122, %add3A_112 : i32
      %get3A_124 = arith.index_cast %add3A_123 : i32 to index
      %get3A_125 = tpu.vector_load %arg8[%get3A_124] {strides = array<i32>} : memref<24576xf32, #tpu.memory_space<vmem>>, vector<16xf32>,
      %add3A_126 = arith.constant 7168 : i32
      %add3A_127 = vector.broadcast %add3A_126 : i32 to vector<16xi32>
      %add3A_128 = arith.addi %get3A_114, %add3A_127 : vector<16xi32>
      tpu.vector_store_idx %arg9[%add3A_128], %get3A_125 {add = true} : memref<24576xf32, #tpu.memory_space<vmem>>[vector<16xi32>], vector<16xf32>,
      %add3A_129 = arith.constant 8192 : i32
      %add3A_130 = arith.addi %add3A_129, %add3A_112 : i32
      %get3A_131 = arith.index_cast %add3A_130 : i32 to index
      %get3A_132 = tpu.vector_load %arg8[%get3A_131] {strides = array<i32>} : memref<24576xf32, #tpu.memory_space<vmem>>, vector<16xf32>,
      %add3A_133 = arith.constant 8192 : i32
      %add3A_134 = vector.broadcast %add3A_133 : i32 to vector<16xi32>
      %add3A_135 = arith.addi %get3A_114, %add3A_134 : vector<16xi32>
      tpu.vector_store_idx %arg9[%add3A_135], %get3A_132 {add = true} : memref<24576xf32, #tpu.memory_space<vmem>>[vector<16xi32>], vector<16xf32>,
      %add3A_136 = arith.constant 12288 : i32
      %add3A_137 = arith.addi %add3A_136, %add3A_112 : i32
      %get3A_138 = arith.index_cast %add3A_137 : i32 to index
      %get3A_139 = tpu.vector_load %arg8[%get3A_138] {strides = array<i32>} : memref<24576xf32, #tpu.memory_space<vmem>>, vector<16xf32>,
      %add3A_140 = arith.constant 9216 : i32
      %add3A_141 = vector.broadcast %add3A_140 : i32 to vector<16xi32>
      %add3A_142 = arith.addi %get3A_114, %add3A_141 : vector<16xi32>
      tpu.vector_store_idx %arg9[%add3A_142], %get3A_139 {add = true} : memref<24576xf32, #tpu.memory_space<vmem>>[vector<16xi32>], vector<16xf32>,
      %add3A_143 = arith.constant 16384 : i32
      %add3A_144 = arith.addi %add3A_143, %add3A_112 : i32
      %get3A_145 = arith.index_cast %add3A_144 : i32 to index
      %get3A_146 = tpu.vector_load %arg8[%get3A_145] {strides = array<i32>} : memref<24576xf32, #tpu.memory_space<vmem>>, vector<16xf32>,
      %add3A_147 = arith.constant 10240 : i32
      %add3A_148 = vector.broadcast %add3A_147 : i32 to vector<16xi32>
      %add3A_149 = arith.addi %get3A_114, %add3A_148 : vector<16xi32>
      tpu.vector_store_idx %arg9[%add3A_149], %get3A_146 {add = true} : memref<24576xf32, #tpu.memory_space<vmem>>[vector<16xi32>], vector<16xf32>,
      %add3A_150 = arith.constant 20480 : i32
      %add3A_151 = arith.addi %add3A_150, %add3A_112 : i32
      %get3A_152 = arith.index_cast %add3A_151 : i32 to index
      %get3A_153 = tpu.vector_load %arg8[%get3A_152] {strides = array<i32>} : memref<24576xf32, #tpu.memory_space<vmem>>, vector<16xf32>,
      %add3A_154 = arith.constant 11264 : i32
      %add3A_155 = vector.broadcast %add3A_154 : i32 to vector<16xi32>
      %add3A_156 = arith.addi %get3A_114, %add3A_155 : vector<16xi32>
      tpu.vector_store_idx %arg9[%add3A_156], %get3A_153 {add = true} : memref<24576xf32, #tpu.memory_space<vmem>>[vector<16xi32>], vector<16xf32>,
      %mul3A_157 = arith.constant 64 : i32
      %mul3A_158 = arith.muli %scan3A_60, %mul3A_157 : i32
      %add3A_159 = arith.constant 32 : i32
      %add3A_160 = arith.addi %mul3A_158, %add3A_159 : i32
      %get3A_161 = arith.index_cast %add3A_160 : i32 to index
      %get3A_162 = tpu.vector_load %arg6[%get3A_161] {strides = array<i32>} : memref<4096xi32, #tpu.memory_space<vmem>>, vector<16xi32>,
      %add3A_163 = arith.constant 0 : i32
      %add3A_164 = arith.addi %add3A_163, %add3A_160 : i32
      %get3A_165 = arith.index_cast %add3A_164 : i32 to index
      %get3A_166 = tpu.vector_load %arg8[%get3A_165] {strides = array<i32>} : memref<24576xf32, #tpu.memory_space<vmem>>, vector<16xf32>,
      %add3A_167 = arith.constant 6144 : i32
      %add3A_168 = vector.broadcast %add3A_167 : i32 to vector<16xi32>
      %add3A_169 = arith.addi %get3A_162, %add3A_168 : vector<16xi32>
      tpu.vector_store_idx %arg9[%add3A_169], %get3A_166 {add = true} : memref<24576xf32, #tpu.memory_space<vmem>>[vector<16xi32>], vector<16xf32>,
      %add3A_170 = arith.constant 4096 : i32
      %add3A_171 = arith.addi %add3A_170, %add3A_160 : i32
      %get3A_172 = arith.index_cast %add3A_171 : i32 to index
      %get3A_173 = tpu.vector_load %arg8[%get3A_172] {strides = array<i32>} : memref<24576xf32, #tpu.memory_space<vmem>>, vector<16xf32>,
      %add3A_174 = arith.constant 7168 : i32
      %add3A_175 = vector.broadcast %add3A_174 : i32 to vector<16xi32>
      %add3A_176 = arith.addi %get3A_162, %add3A_175 : vector<16xi32>
      tpu.vector_store_idx %arg9[%add3A_176], %get3A_173 {add = true} : memref<24576xf32, #tpu.memory_space<vmem>>[vector<16xi32>], vector<16xf32>,
      %add3A_177 = arith.constant 8192 : i32
      %add3A_178 = arith.addi %add3A_177, %add3A_160 : i32
      %get3A_179 = arith.index_cast %add3A_178 : i32 to index
      %get3A_180 = tpu.vector_load %arg8[%get3A_179] {strides = array<i32>} : memref<24576xf32, #tpu.memory_space<vmem>>, vector<16xf32>,
      %add3A_181 = arith.constant 8192 : i32
      %add3A_182 = vector.broadcast %add3A_181 : i32 to vector<16xi32>
      %add3A_183 = arith.addi %get3A_162, %add3A_182 : vector<16xi32>
      tpu.vector_store_idx %arg9[%add3A_183], %get3A_180 {add = true} : memref<24576xf32, #tpu.memory_space<vmem>>[vector<16xi32>], vector<16xf32>,
      %add3A_184 = arith.constant 12288 : i32
      %add3A_185 = arith.addi %add3A_184, %add3A_160 : i32
      %get3A_186 = arith.index_cast %add3A_185 : i32 to index
      %get3A_187 = tpu.vector_load %arg8[%get3A_186] {strides = array<i32>} : memref<24576xf32, #tpu.memory_space<vmem>>, vector<16xf32>,
      %add3A_188 = arith.constant 9216 : i32
      %add3A_189 = vector.broadcast %add3A_188 : i32 to vector<16xi32>
      %add3A_190 = arith.addi %get3A_162, %add3A_189 : vector<16xi32>
      tpu.vector_store_idx %arg9[%add3A_190], %get3A_187 {add = true} : memref<24576xf32, #tpu.memory_space<vmem>>[vector<16xi32>], vector<16xf32>,
      %add3A_191 = arith.constant 16384 : i32
      %add3A_192 = arith.addi %add3A_191, %add3A_160 : i32
      %get3A_193 = arith.index_cast %add3A_192 : i32 to index
      %get3A_194 = tpu.vector_load %arg8[%get3A_193] {strides = array<i32>} : memref<24576xf32, #tpu.memory_space<vmem>>, vector<16xf32>,
      %add3A_195 = arith.constant 10240 : i32
      %add3A_196 = vector.broadcast %add3A_195 : i32 to vector<16xi32>
      %add3A_197 = arith.addi %get3A_162, %add3A_196 : vector<16xi32>
      tpu.vector_store_idx %arg9[%add3A_197], %get3A_194 {add = true} : memref<24576xf32, #tpu.memory_space<vmem>>[vector<16xi32>], vector<16xf32>,
      %add3A_198 = arith.constant 20480 : i32
      %add3A_199 = arith.addi %add3A_198, %add3A_160 : i32
      %get3A_200 = arith.index_cast %add3A_199 : i32 to index
      %get3A_201 = tpu.vector_load %arg8[%get3A_200] {strides = array<i32>} : memref<24576xf32, #tpu.memory_space<vmem>>, vector<16xf32>,
      %add3A_202 = arith.constant 11264 : i32
      %add3A_203 = vector.broadcast %add3A_202 : i32 to vector<16xi32>
      %add3A_204 = arith.addi %get3A_162, %add3A_203 : vector<16xi32>
      tpu.vector_store_idx %arg9[%add3A_204], %get3A_201 {add = true} : memref<24576xf32, #tpu.memory_space<vmem>>[vector<16xi32>], vector<16xf32>,
      %mul3A_205 = arith.constant 64 : i32
      %mul3A_206 = arith.muli %scan3A_60, %mul3A_205 : i32
      %add3A_207 = arith.constant 48 : i32
      %add3A_208 = arith.addi %mul3A_206, %add3A_207 : i32
      %get3A_209 = arith.index_cast %add3A_208 : i32 to index
      %get3A_210 = tpu.vector_load %arg6[%get3A_209] {strides = array<i32>} : memref<4096xi32, #tpu.memory_space<vmem>>, vector<16xi32>,
      %add3A_211 = arith.constant 0 : i32
      %add3A_212 = arith.addi %add3A_211, %add3A_208 : i32
      %get3A_213 = arith.index_cast %add3A_212 : i32 to index
      %get3A_214 = tpu.vector_load %arg8[%get3A_213] {strides = array<i32>} : memref<24576xf32, #tpu.memory_space<vmem>>, vector<16xf32>,
      %add3A_215 = arith.constant 6144 : i32
      %add3A_216 = vector.broadcast %add3A_215 : i32 to vector<16xi32>
      %add3A_217 = arith.addi %get3A_210, %add3A_216 : vector<16xi32>
      tpu.vector_store_idx %arg9[%add3A_217], %get3A_214 {add = true} : memref<24576xf32, #tpu.memory_space<vmem>>[vector<16xi32>], vector<16xf32>,
      %add3A_218 = arith.constant 4096 : i32
      %add3A_219 = arith.addi %add3A_218, %add3A_208 : i32
      %get3A_220 = arith.index_cast %add3A_219 : i32 to index
      %get3A_221 = tpu.vector_load %arg8[%get3A_220] {strides = array<i32>} : memref<24576xf32, #tpu.memory_space<vmem>>, vector<16xf32>,
      %add3A_222 = arith.constant 7168 : i32
      %add3A_223 = vector.broadcast %add3A_222 : i32 to vector<16xi32>
      %add3A_224 = arith.addi %get3A_210, %add3A_223 : vector<16xi32>
      tpu.vector_store_idx %arg9[%add3A_224], %get3A_221 {add = true} : memref<24576xf32, #tpu.memory_space<vmem>>[vector<16xi32>], vector<16xf32>,
      %add3A_225 = arith.constant 8192 : i32
      %add3A_226 = arith.addi %add3A_225, %add3A_208 : i32
      %get3A_227 = arith.index_cast %add3A_226 : i32 to index
      %get3A_228 = tpu.vector_load %arg8[%get3A_227] {strides = array<i32>} : memref<24576xf32, #tpu.memory_space<vmem>>, vector<16xf32>,
      %add3A_229 = arith.constant 8192 : i32
      %add3A_230 = vector.broadcast %add3A_229 : i32 to vector<16xi32>
      %add3A_231 = arith.addi %get3A_210, %add3A_230 : vector<16xi32>
      tpu.vector_store_idx %arg9[%add3A_231], %get3A_228 {add = true} : memref<24576xf32, #tpu.memory_space<vmem>>[vector<16xi32>], vector<16xf32>,
      %add3A_232 = arith.constant 12288 : i32
      %add3A_233 = arith.addi %add3A_232, %add3A_208 : i32
      %get3A_234 = arith.index_cast %add3A_233 : i32 to index
      %get3A_235 = tpu.vector_load %arg8[%get3A_234] {strides = array<i32>} : memref<24576xf32, #tpu.memory_space<vmem>>, vector<16xf32>,
      %add3A_236 = arith.constant 9216 : i32
      %add3A_237 = vector.broadcast %add3A_236 : i32 to vector<16xi32>
      %add3A_238 = arith.addi %get3A_210, %add3A_237 : vector<16xi32>
      tpu.vector_store_idx %arg9[%add3A_238], %get3A_235 {add = true} : memref<24576xf32, #tpu.memory_space<vmem>>[vector<16xi32>], vector<16xf32>,
      %add3A_239 = arith.constant 16384 : i32
      %add3A_240 = arith.addi %add3A_239, %add3A_208 : i32
      %get3A_241 = arith.index_cast %add3A_240 : i32 to index
      %get3A_242 = tpu.vector_load %arg8[%get3A_241] {strides = array<i32>} : memref<24576xf32, #tpu.memory_space<vmem>>, vector<16xf32>,
      %add3A_243 = arith.constant 10240 : i32
      %add3A_244 = vector.broadcast %add3A_243 : i32 to vector<16xi32>
      %add3A_245 = arith.addi %get3A_210, %add3A_244 : vector<16xi32>
      tpu.vector_store_idx %arg9[%add3A_245], %get3A_242 {add = true} : memref<24576xf32, #tpu.memory_space<vmem>>[vector<16xi32>], vector<16xf32>,
      %add3A_246 = arith.constant 20480 : i32
      %add3A_247 = arith.addi %add3A_246, %add3A_208 : i32
      %get3A_248 = arith.index_cast %add3A_247 : i32 to index
      %get3A_249 = tpu.vector_load %arg8[%get3A_248] {strides = array<i32>} : memref<24576xf32, #tpu.memory_space<vmem>>, vector<16xf32>,
      %add3A_250 = arith.constant 11264 : i32
      %add3A_251 = vector.broadcast %add3A_250 : i32 to vector<16xi32>
      %add3A_252 = arith.addi %get3A_210, %add3A_251 : vector<16xi32>
      tpu.vector_store_idx %arg9[%add3A_252], %get3A_249 {add = true} : memref<24576xf32, #tpu.memory_space<vmem>>[vector<16xi32>], vector<16xf32>,
      %scan3A_253 = arith.constant 0 : i32
      scf.yield %scan3A_253 : i32
    }
    %scan3A_33 = arith.constant 64 : i32
    %add3A_34 = arith.constant 18 : i32
    %add3A_35 = arith.addi %mul3A_2, %add3A_34 : i32
    %mul3A_36 = arith.constant 4096 : i32
    %mul3A_37 = arith.muli %add3A_35, %mul3A_36 : i32
    %dma_start3A_38 = tpu.memref_slice %arg2[%mul3A_37] : memref<3145728xf32, #tpu.memory_space<hbm>> -> memref<24576xf32, #tpu.memory_space<hbm>>
    %dma_start3A_39 = tpu.memref_slice %arg2[%mul3A_37] : memref<3145728xf32, #tpu.memory_space<hbm>> -> memref<24576xf32, #tpu.memory_space<hbm>>
    tpu.enqueue_dma source(%dma_start3A_39 : memref<24576xf32, #tpu.memory_space<hbm>>) target(%arg8 : memref<24576xf32, #tpu.memory_space<vmem>>) target_semaphore(%arg11 : memref<!tpu.dma_semaphore, #tpu.memory_space<semaphore_mem>>)
    %dma_wait3A_40 = tpu.memref_slice %arg2[%mul3A_22] : memref<3145728xf32, #tpu.memory_space<hbm>> -> memref<24576xf32, #tpu.memory_space<hbm>>
    %dma_wait3A_41 = tpu.memref_slice %arg2[%mul3A_22] : memref<3145728xf32, #tpu.memory_space<hbm>> -> memref<24576xf32, #tpu.memory_space<hbm>>
    tpu.wait_dma2 semaphore(%arg10 : memref<!tpu.dma_semaphore, #tpu.memory_space<semaphore_mem>>) src(%dma_wait3A_41 : memref<24576xf32, #tpu.memory_space<hbm>>) dst(%arg7 : memref<24576xf32, #tpu.memory_space<vmem>>)
    %scan3A_42 = arith.constant 0 : i32
    %scan3A_43 = arith.constant 0 : i32
    %scan3A_44 = arith.constant 64 : i32
    %scan3A_45 = arith.addi %scan3A_43, %scan3A_44 : i32
    %scan3A_46 = arith.constant 1 : i32
    %scan3A_47 = scf.for %scan3A_60 = %scan3A_43 to %scan3A_45 step %scan3A_46 iter_args(%scan3A_61 = %scan3A_42) -> (i32)  : i32 {
      %mul3A_62 = arith.constant 64 : i32
      %mul3A_63 = arith.muli %scan3A_60, %mul3A_62 : i32
      %add3A_64 = arith.constant 0 : i32
      %add3A_65 = arith.addi %mul3A_63, %add3A_64 : i32
      %get3A = arith.index_cast %add3A_65 : i32 to index
      %get3A_66 = tpu.vector_load %arg6[%get3A] {strides = array<i32>} : memref<4096xi32, #tpu.memory_space<vmem>>, vector<16xi32>,
      %add3A_67 = arith.constant 0 : i32
      %add3A_68 = arith.addi %add3A_67, %add3A_65 : i32
      %get3A_69 = arith.index_cast %add3A_68 : i32 to index
      %get3A_70 = tpu.vector_load %arg7[%get3A_69] {strides = array<i32>} : memref<24576xf32, #tpu.memory_space<vmem>>, vector<16xf32>,
      %add3A_71 = arith.constant 12288 : i32
      %add3A_72 = vector.broadcast %add3A_71 : i32 to vector<16xi32>
      %add3A_73 = arith.addi %get3A_66, %add3A_72 : vector<16xi32>
      tpu.vector_store_idx %arg9[%add3A_73], %get3A_70 {add = true} : memref<24576xf32, #tpu.memory_space<vmem>>[vector<16xi32>], vector<16xf32>,
      %add3A_74 = arith.constant 4096 : i32
      %add3A_75 = arith.addi %add3A_74, %add3A_65 : i32
      %get3A_76 = arith.index_cast %add3A_75 : i32 to index
      %get3A_77 = tpu.vector_load %arg7[%get3A_76] {strides = array<i32>} : memref<24576xf32, #tpu.memory_space<vmem>>, vector<16xf32>,
      %add3A_78 = arith.constant 13312 : i32
      %add3A_79 = vector.broadcast %add3A_78 : i32 to vector<16xi32>
      %add3A_80 = arith.addi %get3A_66, %add3A_79 : vector<16xi32>
      tpu.vector_store_idx %arg9[%add3A_80], %get3A_77 {add = true} : memref<24576xf32, #tpu.memory_space<vmem>>[vector<16xi32>], vector<16xf32>,
      %add3A_81 = arith.constant 8192 : i32
      %add3A_82 = arith.addi %add3A_81, %add3A_65 : i32
      %get3A_83 = arith.index_cast %add3A_82 : i32 to index
      %get3A_84 = tpu.vector_load %arg7[%get3A_83] {strides = array<i32>} : memref<24576xf32, #tpu.memory_space<vmem>>, vector<16xf32>,
      %add3A_85 = arith.constant 14336 : i32
      %add3A_86 = vector.broadcast %add3A_85 : i32 to vector<16xi32>
      %add3A_87 = arith.addi %get3A_66, %add3A_86 : vector<16xi32>
      tpu.vector_store_idx %arg9[%add3A_87], %get3A_84 {add = true} : memref<24576xf32, #tpu.memory_space<vmem>>[vector<16xi32>], vector<16xf32>,
      %add3A_88 = arith.constant 12288 : i32
      %add3A_89 = arith.addi %add3A_88, %add3A_65 : i32
      %get3A_90 = arith.index_cast %add3A_89 : i32 to index
      %get3A_91 = tpu.vector_load %arg7[%get3A_90] {strides = array<i32>} : memref<24576xf32, #tpu.memory_space<vmem>>, vector<16xf32>,
      %add3A_92 = arith.constant 15360 : i32
      %add3A_93 = vector.broadcast %add3A_92 : i32 to vector<16xi32>
      %add3A_94 = arith.addi %get3A_66, %add3A_93 : vector<16xi32>
      tpu.vector_store_idx %arg9[%add3A_94], %get3A_91 {add = true} : memref<24576xf32, #tpu.memory_space<vmem>>[vector<16xi32>], vector<16xf32>,
      %add3A_95 = arith.constant 16384 : i32
      %add3A_96 = arith.addi %add3A_95, %add3A_65 : i32
      %get3A_97 = arith.index_cast %add3A_96 : i32 to index
      %get3A_98 = tpu.vector_load %arg7[%get3A_97] {strides = array<i32>} : memref<24576xf32, #tpu.memory_space<vmem>>, vector<16xf32>,
      %add3A_99 = arith.constant 16384 : i32
      %add3A_100 = vector.broadcast %add3A_99 : i32 to vector<16xi32>
      %add3A_101 = arith.addi %get3A_66, %add3A_100 : vector<16xi32>
      tpu.vector_store_idx %arg9[%add3A_101], %get3A_98 {add = true} : memref<24576xf32, #tpu.memory_space<vmem>>[vector<16xi32>], vector<16xf32>,
      %add3A_102 = arith.constant 20480 : i32
      %add3A_103 = arith.addi %add3A_102, %add3A_65 : i32
      %get3A_104 = arith.index_cast %add3A_103 : i32 to index
      %get3A_105 = tpu.vector_load %arg7[%get3A_104] {strides = array<i32>} : memref<24576xf32, #tpu.memory_space<vmem>>, vector<16xf32>,
      %add3A_106 = arith.constant 17408 : i32
      %add3A_107 = vector.broadcast %add3A_106 : i32 to vector<16xi32>
      %add3A_108 = arith.addi %get3A_66, %add3A_107 : vector<16xi32>
      tpu.vector_store_idx %arg9[%add3A_108], %get3A_105 {add = true} : memref<24576xf32, #tpu.memory_space<vmem>>[vector<16xi32>], vector<16xf32>,
      %mul3A_109 = arith.constant 64 : i32
      %mul3A_110 = arith.muli %scan3A_60, %mul3A_109 : i32
      %add3A_111 = arith.constant 16 : i32
      %add3A_112 = arith.addi %mul3A_110, %add3A_111 : i32
      %get3A_113 = arith.index_cast %add3A_112 : i32 to index
      %get3A_114 = tpu.vector_load %arg6[%get3A_113] {strides = array<i32>} : memref<4096xi32, #tpu.memory_space<vmem>>, vector<16xi32>,
      %add3A_115 = arith.constant 0 : i32
      %add3A_116 = arith.addi %add3A_115, %add3A_112 : i32
      %get3A_117 = arith.index_cast %add3A_116 : i32 to index
      %get3A_118 = tpu.vector_load %arg7[%get3A_117] {strides = array<i32>} : memref<24576xf32, #tpu.memory_space<vmem>>, vector<16xf32>,
      %add3A_119 = arith.constant 12288 : i32
      %add3A_120 = vector.broadcast %add3A_119 : i32 to vector<16xi32>
      %add3A_121 = arith.addi %get3A_114, %add3A_120 : vector<16xi32>
      tpu.vector_store_idx %arg9[%add3A_121], %get3A_118 {add = true} : memref<24576xf32, #tpu.memory_space<vmem>>[vector<16xi32>], vector<16xf32>,
      %add3A_122 = arith.constant 4096 : i32
      %add3A_123 = arith.addi %add3A_122, %add3A_112 : i32
      %get3A_124 = arith.index_cast %add3A_123 : i32 to index
      %get3A_125 = tpu.vector_load %arg7[%get3A_124] {strides = array<i32>} : memref<24576xf32, #tpu.memory_space<vmem>>, vector<16xf32>,
      %add3A_126 = arith.constant 13312 : i32
      %add3A_127 = vector.broadcast %add3A_126 : i32 to vector<16xi32>
      %add3A_128 = arith.addi %get3A_114, %add3A_127 : vector<16xi32>
      tpu.vector_store_idx %arg9[%add3A_128], %get3A_125 {add = true} : memref<24576xf32, #tpu.memory_space<vmem>>[vector<16xi32>], vector<16xf32>,
      %add3A_129 = arith.constant 8192 : i32
      %add3A_130 = arith.addi %add3A_129, %add3A_112 : i32
      %get3A_131 = arith.index_cast %add3A_130 : i32 to index
      %get3A_132 = tpu.vector_load %arg7[%get3A_131] {strides = array<i32>} : memref<24576xf32, #tpu.memory_space<vmem>>, vector<16xf32>,
      %add3A_133 = arith.constant 14336 : i32
      %add3A_134 = vector.broadcast %add3A_133 : i32 to vector<16xi32>
      %add3A_135 = arith.addi %get3A_114, %add3A_134 : vector<16xi32>
      tpu.vector_store_idx %arg9[%add3A_135], %get3A_132 {add = true} : memref<24576xf32, #tpu.memory_space<vmem>>[vector<16xi32>], vector<16xf32>,
      %add3A_136 = arith.constant 12288 : i32
      %add3A_137 = arith.addi %add3A_136, %add3A_112 : i32
      %get3A_138 = arith.index_cast %add3A_137 : i32 to index
      %get3A_139 = tpu.vector_load %arg7[%get3A_138] {strides = array<i32>} : memref<24576xf32, #tpu.memory_space<vmem>>, vector<16xf32>,
      %add3A_140 = arith.constant 15360 : i32
      %add3A_141 = vector.broadcast %add3A_140 : i32 to vector<16xi32>
      %add3A_142 = arith.addi %get3A_114, %add3A_141 : vector<16xi32>
      tpu.vector_store_idx %arg9[%add3A_142], %get3A_139 {add = true} : memref<24576xf32, #tpu.memory_space<vmem>>[vector<16xi32>], vector<16xf32>,
      %add3A_143 = arith.constant 16384 : i32
      %add3A_144 = arith.addi %add3A_143, %add3A_112 : i32
      %get3A_145 = arith.index_cast %add3A_144 : i32 to index
      %get3A_146 = tpu.vector_load %arg7[%get3A_145] {strides = array<i32>} : memref<24576xf32, #tpu.memory_space<vmem>>, vector<16xf32>,
      %add3A_147 = arith.constant 16384 : i32
      %add3A_148 = vector.broadcast %add3A_147 : i32 to vector<16xi32>
      %add3A_149 = arith.addi %get3A_114, %add3A_148 : vector<16xi32>
      tpu.vector_store_idx %arg9[%add3A_149], %get3A_146 {add = true} : memref<24576xf32, #tpu.memory_space<vmem>>[vector<16xi32>], vector<16xf32>,
      %add3A_150 = arith.constant 20480 : i32
      %add3A_151 = arith.addi %add3A_150, %add3A_112 : i32
      %get3A_152 = arith.index_cast %add3A_151 : i32 to index
      %get3A_153 = tpu.vector_load %arg7[%get3A_152] {strides = array<i32>} : memref<24576xf32, #tpu.memory_space<vmem>>, vector<16xf32>,
      %add3A_154 = arith.constant 17408 : i32
      %add3A_155 = vector.broadcast %add3A_154 : i32 to vector<16xi32>
      %add3A_156 = arith.addi %get3A_114, %add3A_155 : vector<16xi32>
      tpu.vector_store_idx %arg9[%add3A_156], %get3A_153 {add = true} : memref<24576xf32, #tpu.memory_space<vmem>>[vector<16xi32>], vector<16xf32>,
      %mul3A_157 = arith.constant 64 : i32
      %mul3A_158 = arith.muli %scan3A_60, %mul3A_157 : i32
      %add3A_159 = arith.constant 32 : i32
      %add3A_160 = arith.addi %mul3A_158, %add3A_159 : i32
      %get3A_161 = arith.index_cast %add3A_160 : i32 to index
      %get3A_162 = tpu.vector_load %arg6[%get3A_161] {strides = array<i32>} : memref<4096xi32, #tpu.memory_space<vmem>>, vector<16xi32>,
      %add3A_163 = arith.constant 0 : i32
      %add3A_164 = arith.addi %add3A_163, %add3A_160 : i32
      %get3A_165 = arith.index_cast %add3A_164 : i32 to index
      %get3A_166 = tpu.vector_load %arg7[%get3A_165] {strides = array<i32>} : memref<24576xf32, #tpu.memory_space<vmem>>, vector<16xf32>,
      %add3A_167 = arith.constant 12288 : i32
      %add3A_168 = vector.broadcast %add3A_167 : i32 to vector<16xi32>
      %add3A_169 = arith.addi %get3A_162, %add3A_168 : vector<16xi32>
      tpu.vector_store_idx %arg9[%add3A_169], %get3A_166 {add = true} : memref<24576xf32, #tpu.memory_space<vmem>>[vector<16xi32>], vector<16xf32>,
      %add3A_170 = arith.constant 4096 : i32
      %add3A_171 = arith.addi %add3A_170, %add3A_160 : i32
      %get3A_172 = arith.index_cast %add3A_171 : i32 to index
      %get3A_173 = tpu.vector_load %arg7[%get3A_172] {strides = array<i32>} : memref<24576xf32, #tpu.memory_space<vmem>>, vector<16xf32>,
      %add3A_174 = arith.constant 13312 : i32
      %add3A_175 = vector.broadcast %add3A_174 : i32 to vector<16xi32>
      %add3A_176 = arith.addi %get3A_162, %add3A_175 : vector<16xi32>
      tpu.vector_store_idx %arg9[%add3A_176], %get3A_173 {add = true} : memref<24576xf32, #tpu.memory_space<vmem>>[vector<16xi32>], vector<16xf32>,
      %add3A_177 = arith.constant 8192 : i32
      %add3A_178 = arith.addi %add3A_177, %add3A_160 : i32
      %get3A_179 = arith.index_cast %add3A_178 : i32 to index
      %get3A_180 = tpu.vector_load %arg7[%get3A_179] {strides = array<i32>} : memref<24576xf32, #tpu.memory_space<vmem>>, vector<16xf32>,
      %add3A_181 = arith.constant 14336 : i32
      %add3A_182 = vector.broadcast %add3A_181 : i32 to vector<16xi32>
      %add3A_183 = arith.addi %get3A_162, %add3A_182 : vector<16xi32>
      tpu.vector_store_idx %arg9[%add3A_183], %get3A_180 {add = true} : memref<24576xf32, #tpu.memory_space<vmem>>[vector<16xi32>], vector<16xf32>,
      %add3A_184 = arith.constant 12288 : i32
      %add3A_185 = arith.addi %add3A_184, %add3A_160 : i32
      %get3A_186 = arith.index_cast %add3A_185 : i32 to index
      %get3A_187 = tpu.vector_load %arg7[%get3A_186] {strides = array<i32>} : memref<24576xf32, #tpu.memory_space<vmem>>, vector<16xf32>,
      %add3A_188 = arith.constant 15360 : i32
      %add3A_189 = vector.broadcast %add3A_188 : i32 to vector<16xi32>
      %add3A_190 = arith.addi %get3A_162, %add3A_189 : vector<16xi32>
      tpu.vector_store_idx %arg9[%add3A_190], %get3A_187 {add = true} : memref<24576xf32, #tpu.memory_space<vmem>>[vector<16xi32>], vector<16xf32>,
      %add3A_191 = arith.constant 16384 : i32
      %add3A_192 = arith.addi %add3A_191, %add3A_160 : i32
      %get3A_193 = arith.index_cast %add3A_192 : i32 to index
      %get3A_194 = tpu.vector_load %arg7[%get3A_193] {strides = array<i32>} : memref<24576xf32, #tpu.memory_space<vmem>>, vector<16xf32>,
      %add3A_195 = arith.constant 16384 : i32
      %add3A_196 = vector.broadcast %add3A_195 : i32 to vector<16xi32>
      %add3A_197 = arith.addi %get3A_162, %add3A_196 : vector<16xi32>
      tpu.vector_store_idx %arg9[%add3A_197], %get3A_194 {add = true} : memref<24576xf32, #tpu.memory_space<vmem>>[vector<16xi32>], vector<16xf32>,
      %add3A_198 = arith.constant 20480 : i32
      %add3A_199 = arith.addi %add3A_198, %add3A_160 : i32
      %get3A_200 = arith.index_cast %add3A_199 : i32 to index
      %get3A_201 = tpu.vector_load %arg7[%get3A_200] {strides = array<i32>} : memref<24576xf32, #tpu.memory_space<vmem>>, vector<16xf32>,
      %add3A_202 = arith.constant 17408 : i32
      %add3A_203 = vector.broadcast %add3A_202 : i32 to vector<16xi32>
      %add3A_204 = arith.addi %get3A_162, %add3A_203 : vector<16xi32>
      tpu.vector_store_idx %arg9[%add3A_204], %get3A_201 {add = true} : memref<24576xf32, #tpu.memory_space<vmem>>[vector<16xi32>], vector<16xf32>,
      %mul3A_205 = arith.constant 64 : i32
      %mul3A_206 = arith.muli %scan3A_60, %mul3A_205 : i32
      %add3A_207 = arith.constant 48 : i32
      %add3A_208 = arith.addi %mul3A_206, %add3A_207 : i32
      %get3A_209 = arith.index_cast %add3A_208 : i32 to index
      %get3A_210 = tpu.vector_load %arg6[%get3A_209] {strides = array<i32>} : memref<4096xi32, #tpu.memory_space<vmem>>, vector<16xi32>,
      %add3A_211 = arith.constant 0 : i32
      %add3A_212 = arith.addi %add3A_211, %add3A_208 : i32
      %get3A_213 = arith.index_cast %add3A_212 : i32 to index
      %get3A_214 = tpu.vector_load %arg7[%get3A_213] {strides = array<i32>} : memref<24576xf32, #tpu.memory_space<vmem>>, vector<16xf32>,
      %add3A_215 = arith.constant 12288 : i32
      %add3A_216 = vector.broadcast %add3A_215 : i32 to vector<16xi32>
      %add3A_217 = arith.addi %get3A_210, %add3A_216 : vector<16xi32>
      tpu.vector_store_idx %arg9[%add3A_217], %get3A_214 {add = true} : memref<24576xf32, #tpu.memory_space<vmem>>[vector<16xi32>], vector<16xf32>,
      %add3A_218 = arith.constant 4096 : i32
      %add3A_219 = arith.addi %add3A_218, %add3A_208 : i32
      %get3A_220 = arith.index_cast %add3A_219 : i32 to index
      %get3A_221 = tpu.vector_load %arg7[%get3A_220] {strides = array<i32>} : memref<24576xf32, #tpu.memory_space<vmem>>, vector<16xf32>,
      %add3A_222 = arith.constant 13312 : i32
      %add3A_223 = vector.broadcast %add3A_222 : i32 to vector<16xi32>
      %add3A_224 = arith.addi %get3A_210, %add3A_223 : vector<16xi32>
      tpu.vector_store_idx %arg9[%add3A_224], %get3A_221 {add = true} : memref<24576xf32, #tpu.memory_space<vmem>>[vector<16xi32>], vector<16xf32>,
      %add3A_225 = arith.constant 8192 : i32
      %add3A_226 = arith.addi %add3A_225, %add3A_208 : i32
      %get3A_227 = arith.index_cast %add3A_226 : i32 to index
      %get3A_228 = tpu.vector_load %arg7[%get3A_227] {strides = array<i32>} : memref<24576xf32, #tpu.memory_space<vmem>>, vector<16xf32>,
      %add3A_229 = arith.constant 14336 : i32
      %add3A_230 = vector.broadcast %add3A_229 : i32 to vector<16xi32>
      %add3A_231 = arith.addi %get3A_210, %add3A_230 : vector<16xi32>
      tpu.vector_store_idx %arg9[%add3A_231], %get3A_228 {add = true} : memref<24576xf32, #tpu.memory_space<vmem>>[vector<16xi32>], vector<16xf32>,
      %add3A_232 = arith.constant 12288 : i32
      %add3A_233 = arith.addi %add3A_232, %add3A_208 : i32
      %get3A_234 = arith.index_cast %add3A_233 : i32 to index
      %get3A_235 = tpu.vector_load %arg7[%get3A_234] {strides = array<i32>} : memref<24576xf32, #tpu.memory_space<vmem>>, vector<16xf32>,
      %add3A_236 = arith.constant 15360 : i32
      %add3A_237 = vector.broadcast %add3A_236 : i32 to vector<16xi32>
      %add3A_238 = arith.addi %get3A_210, %add3A_237 : vector<16xi32>
      tpu.vector_store_idx %arg9[%add3A_238], %get3A_235 {add = true} : memref<24576xf32, #tpu.memory_space<vmem>>[vector<16xi32>], vector<16xf32>,
      %add3A_239 = arith.constant 16384 : i32
      %add3A_240 = arith.addi %add3A_239, %add3A_208 : i32
      %get3A_241 = arith.index_cast %add3A_240 : i32 to index
      %get3A_242 = tpu.vector_load %arg7[%get3A_241] {strides = array<i32>} : memref<24576xf32, #tpu.memory_space<vmem>>, vector<16xf32>,
      %add3A_243 = arith.constant 16384 : i32
      %add3A_244 = vector.broadcast %add3A_243 : i32 to vector<16xi32>
      %add3A_245 = arith.addi %get3A_210, %add3A_244 : vector<16xi32>
      tpu.vector_store_idx %arg9[%add3A_245], %get3A_242 {add = true} : memref<24576xf32, #tpu.memory_space<vmem>>[vector<16xi32>], vector<16xf32>,
      %add3A_246 = arith.constant 20480 : i32
      %add3A_247 = arith.addi %add3A_246, %add3A_208 : i32
      %get3A_248 = arith.index_cast %add3A_247 : i32 to index
      %get3A_249 = tpu.vector_load %arg7[%get3A_248] {strides = array<i32>} : memref<24576xf32, #tpu.memory_space<vmem>>, vector<16xf32>,
      %add3A_250 = arith.constant 17408 : i32
      %add3A_251 = vector.broadcast %add3A_250 : i32 to vector<16xi32>
      %add3A_252 = arith.addi %get3A_210, %add3A_251 : vector<16xi32>
      tpu.vector_store_idx %arg9[%add3A_252], %get3A_249 {add = true} : memref<24576xf32, #tpu.memory_space<vmem>>[vector<16xi32>], vector<16xf32>,
      %scan3A_253 = arith.constant 0 : i32
      scf.yield %scan3A_253 : i32
    }
    %scan3A_48 = arith.constant 64 : i32
    %dma_wait3A_49 = tpu.memref_slice %arg2[%mul3A_37] : memref<3145728xf32, #tpu.memory_space<hbm>> -> memref<24576xf32, #tpu.memory_space<hbm>>
    %dma_wait3A_50 = tpu.memref_slice %arg2[%mul3A_37] : memref<3145728xf32, #tpu.memory_space<hbm>> -> memref<24576xf32, #tpu.memory_space<hbm>>
    tpu.wait_dma2 semaphore(%arg11 : memref<!tpu.dma_semaphore, #tpu.memory_space<semaphore_mem>>) src(%dma_wait3A_50 : memref<24576xf32, #tpu.memory_space<hbm>>) dst(%arg8 : memref<24576xf32, #tpu.memory_space<vmem>>)
    %scan3A_51 = arith.constant 0 : i32
    %scan3A_52 = arith.constant 0 : i32
    %scan3A_53 = arith.constant 64 : i32
    %scan3A_54 = arith.addi %scan3A_52, %scan3A_53 : i32
    %scan3A_55 = arith.constant 1 : i32
    %scan3A_56 = scf.for %scan3A_60 = %scan3A_52 to %scan3A_54 step %scan3A_55 iter_args(%scan3A_61 = %scan3A_51) -> (i32)  : i32 {
      %mul3A_62 = arith.constant 64 : i32
      %mul3A_63 = arith.muli %scan3A_60, %mul3A_62 : i32
      %add3A_64 = arith.constant 0 : i32
      %add3A_65 = arith.addi %mul3A_63, %add3A_64 : i32
      %get3A = arith.index_cast %add3A_65 : i32 to index
      %get3A_66 = tpu.vector_load %arg6[%get3A] {strides = array<i32>} : memref<4096xi32, #tpu.memory_space<vmem>>, vector<16xi32>,
      %add3A_67 = arith.constant 0 : i32
      %add3A_68 = arith.addi %add3A_67, %add3A_65 : i32
      %get3A_69 = arith.index_cast %add3A_68 : i32 to index
      %get3A_70 = tpu.vector_load %arg8[%get3A_69] {strides = array<i32>} : memref<24576xf32, #tpu.memory_space<vmem>>, vector<16xf32>,
      %add3A_71 = arith.constant 18432 : i32
      %add3A_72 = vector.broadcast %add3A_71 : i32 to vector<16xi32>
      %add3A_73 = arith.addi %get3A_66, %add3A_72 : vector<16xi32>
      tpu.vector_store_idx %arg9[%add3A_73], %get3A_70 {add = true} : memref<24576xf32, #tpu.memory_space<vmem>>[vector<16xi32>], vector<16xf32>,
      %add3A_74 = arith.constant 4096 : i32
      %add3A_75 = arith.addi %add3A_74, %add3A_65 : i32
      %get3A_76 = arith.index_cast %add3A_75 : i32 to index
      %get3A_77 = tpu.vector_load %arg8[%get3A_76] {strides = array<i32>} : memref<24576xf32, #tpu.memory_space<vmem>>, vector<16xf32>,
      %add3A_78 = arith.constant 19456 : i32
      %add3A_79 = vector.broadcast %add3A_78 : i32 to vector<16xi32>
      %add3A_80 = arith.addi %get3A_66, %add3A_79 : vector<16xi32>
      tpu.vector_store_idx %arg9[%add3A_80], %get3A_77 {add = true} : memref<24576xf32, #tpu.memory_space<vmem>>[vector<16xi32>], vector<16xf32>,
      %add3A_81 = arith.constant 8192 : i32
      %add3A_82 = arith.addi %add3A_81, %add3A_65 : i32
      %get3A_83 = arith.index_cast %add3A_82 : i32 to index
      %get3A_84 = tpu.vector_load %arg8[%get3A_83] {strides = array<i32>} : memref<24576xf32, #tpu.memory_space<vmem>>, vector<16xf32>,
      %add3A_85 = arith.constant 20480 : i32
      %add3A_86 = vector.broadcast %add3A_85 : i32 to vector<16xi32>
      %add3A_87 = arith.addi %get3A_66, %add3A_86 : vector<16xi32>
      tpu.vector_store_idx %arg9[%add3A_87], %get3A_84 {add = true} : memref<24576xf32, #tpu.memory_space<vmem>>[vector<16xi32>], vector<16xf32>,
      %add3A_88 = arith.constant 12288 : i32
      %add3A_89 = arith.addi %add3A_88, %add3A_65 : i32
      %get3A_90 = arith.index_cast %add3A_89 : i32 to index
      %get3A_91 = tpu.vector_load %arg8[%get3A_90] {strides = array<i32>} : memref<24576xf32, #tpu.memory_space<vmem>>, vector<16xf32>,
      %add3A_92 = arith.constant 21504 : i32
      %add3A_93 = vector.broadcast %add3A_92 : i32 to vector<16xi32>
      %add3A_94 = arith.addi %get3A_66, %add3A_93 : vector<16xi32>
      tpu.vector_store_idx %arg9[%add3A_94], %get3A_91 {add = true} : memref<24576xf32, #tpu.memory_space<vmem>>[vector<16xi32>], vector<16xf32>,
      %add3A_95 = arith.constant 16384 : i32
      %add3A_96 = arith.addi %add3A_95, %add3A_65 : i32
      %get3A_97 = arith.index_cast %add3A_96 : i32 to index
      %get3A_98 = tpu.vector_load %arg8[%get3A_97] {strides = array<i32>} : memref<24576xf32, #tpu.memory_space<vmem>>, vector<16xf32>,
      %add3A_99 = arith.constant 22528 : i32
      %add3A_100 = vector.broadcast %add3A_99 : i32 to vector<16xi32>
      %add3A_101 = arith.addi %get3A_66, %add3A_100 : vector<16xi32>
      tpu.vector_store_idx %arg9[%add3A_101], %get3A_98 {add = true} : memref<24576xf32, #tpu.memory_space<vmem>>[vector<16xi32>], vector<16xf32>,
      %add3A_102 = arith.constant 20480 : i32
      %add3A_103 = arith.addi %add3A_102, %add3A_65 : i32
      %get3A_104 = arith.index_cast %add3A_103 : i32 to index
      %get3A_105 = tpu.vector_load %arg8[%get3A_104] {strides = array<i32>} : memref<24576xf32, #tpu.memory_space<vmem>>, vector<16xf32>,
      %add3A_106 = arith.constant 23552 : i32
      %add3A_107 = vector.broadcast %add3A_106 : i32 to vector<16xi32>
      %add3A_108 = arith.addi %get3A_66, %add3A_107 : vector<16xi32>
      tpu.vector_store_idx %arg9[%add3A_108], %get3A_105 {add = true} : memref<24576xf32, #tpu.memory_space<vmem>>[vector<16xi32>], vector<16xf32>,
      %mul3A_109 = arith.constant 64 : i32
      %mul3A_110 = arith.muli %scan3A_60, %mul3A_109 : i32
      %add3A_111 = arith.constant 16 : i32
      %add3A_112 = arith.addi %mul3A_110, %add3A_111 : i32
      %get3A_113 = arith.index_cast %add3A_112 : i32 to index
      %get3A_114 = tpu.vector_load %arg6[%get3A_113] {strides = array<i32>} : memref<4096xi32, #tpu.memory_space<vmem>>, vector<16xi32>,
      %add3A_115 = arith.constant 0 : i32
      %add3A_116 = arith.addi %add3A_115, %add3A_112 : i32
      %get3A_117 = arith.index_cast %add3A_116 : i32 to index
      %get3A_118 = tpu.vector_load %arg8[%get3A_117] {strides = array<i32>} : memref<24576xf32, #tpu.memory_space<vmem>>, vector<16xf32>,
      %add3A_119 = arith.constant 18432 : i32
      %add3A_120 = vector.broadcast %add3A_119 : i32 to vector<16xi32>
      %add3A_121 = arith.addi %get3A_114, %add3A_120 : vector<16xi32>
      tpu.vector_store_idx %arg9[%add3A_121], %get3A_118 {add = true} : memref<24576xf32, #tpu.memory_space<vmem>>[vector<16xi32>], vector<16xf32>,
      %add3A_122 = arith.constant 4096 : i32
      %add3A_123 = arith.addi %add3A_122, %add3A_112 : i32
      %get3A_124 = arith.index_cast %add3A_123 : i32 to index
      %get3A_125 = tpu.vector_load %arg8[%get3A_124] {strides = array<i32>} : memref<24576xf32, #tpu.memory_space<vmem>>, vector<16xf32>,
      %add3A_126 = arith.constant 19456 : i32
      %add3A_127 = vector.broadcast %add3A_126 : i32 to vector<16xi32>
      %add3A_128 = arith.addi %get3A_114, %add3A_127 : vector<16xi32>
      tpu.vector_store_idx %arg9[%add3A_128], %get3A_125 {add = true} : memref<24576xf32, #tpu.memory_space<vmem>>[vector<16xi32>], vector<16xf32>,
      %add3A_129 = arith.constant 8192 : i32
      %add3A_130 = arith.addi %add3A_129, %add3A_112 : i32
      %get3A_131 = arith.index_cast %add3A_130 : i32 to index
      %get3A_132 = tpu.vector_load %arg8[%get3A_131] {strides = array<i32>} : memref<24576xf32, #tpu.memory_space<vmem>>, vector<16xf32>,
      %add3A_133 = arith.constant 20480 : i32
      %add3A_134 = vector.broadcast %add3A_133 : i32 to vector<16xi32>
      %add3A_135 = arith.addi %get3A_114, %add3A_134 : vector<16xi32>
      tpu.vector_store_idx %arg9[%add3A_135], %get3A_132 {add = true} : memref<24576xf32, #tpu.memory_space<vmem>>[vector<16xi32>], vector<16xf32>,
      %add3A_136 = arith.constant 12288 : i32
      %add3A_137 = arith.addi %add3A_136, %add3A_112 : i32
      %get3A_138 = arith.index_cast %add3A_137 : i32 to index
      %get3A_139 = tpu.vector_load %arg8[%get3A_138] {strides = array<i32>} : memref<24576xf32, #tpu.memory_space<vmem>>, vector<16xf32>,
      %add3A_140 = arith.constant 21504 : i32
      %add3A_141 = vector.broadcast %add3A_140 : i32 to vector<16xi32>
      %add3A_142 = arith.addi %get3A_114, %add3A_141 : vector<16xi32>
      tpu.vector_store_idx %arg9[%add3A_142], %get3A_139 {add = true} : memref<24576xf32, #tpu.memory_space<vmem>>[vector<16xi32>], vector<16xf32>,
      %add3A_143 = arith.constant 16384 : i32
      %add3A_144 = arith.addi %add3A_143, %add3A_112 : i32
      %get3A_145 = arith.index_cast %add3A_144 : i32 to index
      %get3A_146 = tpu.vector_load %arg8[%get3A_145] {strides = array<i32>} : memref<24576xf32, #tpu.memory_space<vmem>>, vector<16xf32>,
      %add3A_147 = arith.constant 22528 : i32
      %add3A_148 = vector.broadcast %add3A_147 : i32 to vector<16xi32>
      %add3A_149 = arith.addi %get3A_114, %add3A_148 : vector<16xi32>
      tpu.vector_store_idx %arg9[%add3A_149], %get3A_146 {add = true} : memref<24576xf32, #tpu.memory_space<vmem>>[vector<16xi32>], vector<16xf32>,
      %add3A_150 = arith.constant 20480 : i32
      %add3A_151 = arith.addi %add3A_150, %add3A_112 : i32
      %get3A_152 = arith.index_cast %add3A_151 : i32 to index
      %get3A_153 = tpu.vector_load %arg8[%get3A_152] {strides = array<i32>} : memref<24576xf32, #tpu.memory_space<vmem>>, vector<16xf32>,
      %add3A_154 = arith.constant 23552 : i32
      %add3A_155 = vector.broadcast %add3A_154 : i32 to vector<16xi32>
      %add3A_156 = arith.addi %get3A_114, %add3A_155 : vector<16xi32>
      tpu.vector_store_idx %arg9[%add3A_156], %get3A_153 {add = true} : memref<24576xf32, #tpu.memory_space<vmem>>[vector<16xi32>], vector<16xf32>,
      %mul3A_157 = arith.constant 64 : i32
      %mul3A_158 = arith.muli %scan3A_60, %mul3A_157 : i32
      %add3A_159 = arith.constant 32 : i32
      %add3A_160 = arith.addi %mul3A_158, %add3A_159 : i32
      %get3A_161 = arith.index_cast %add3A_160 : i32 to index
      %get3A_162 = tpu.vector_load %arg6[%get3A_161] {strides = array<i32>} : memref<4096xi32, #tpu.memory_space<vmem>>, vector<16xi32>,
      %add3A_163 = arith.constant 0 : i32
      %add3A_164 = arith.addi %add3A_163, %add3A_160 : i32
      %get3A_165 = arith.index_cast %add3A_164 : i32 to index
      %get3A_166 = tpu.vector_load %arg8[%get3A_165] {strides = array<i32>} : memref<24576xf32, #tpu.memory_space<vmem>>, vector<16xf32>,
      %add3A_167 = arith.constant 18432 : i32
      %add3A_168 = vector.broadcast %add3A_167 : i32 to vector<16xi32>
      %add3A_169 = arith.addi %get3A_162, %add3A_168 : vector<16xi32>
      tpu.vector_store_idx %arg9[%add3A_169], %get3A_166 {add = true} : memref<24576xf32, #tpu.memory_space<vmem>>[vector<16xi32>], vector<16xf32>,
      %add3A_170 = arith.constant 4096 : i32
      %add3A_171 = arith.addi %add3A_170, %add3A_160 : i32
      %get3A_172 = arith.index_cast %add3A_171 : i32 to index
      %get3A_173 = tpu.vector_load %arg8[%get3A_172] {strides = array<i32>} : memref<24576xf32, #tpu.memory_space<vmem>>, vector<16xf32>,
      %add3A_174 = arith.constant 19456 : i32
      %add3A_175 = vector.broadcast %add3A_174 : i32 to vector<16xi32>
      %add3A_176 = arith.addi %get3A_162, %add3A_175 : vector<16xi32>
      tpu.vector_store_idx %arg9[%add3A_176], %get3A_173 {add = true} : memref<24576xf32, #tpu.memory_space<vmem>>[vector<16xi32>], vector<16xf32>,
      %add3A_177 = arith.constant 8192 : i32
      %add3A_178 = arith.addi %add3A_177, %add3A_160 : i32
      %get3A_179 = arith.index_cast %add3A_178 : i32 to index
      %get3A_180 = tpu.vector_load %arg8[%get3A_179] {strides = array<i32>} : memref<24576xf32, #tpu.memory_space<vmem>>, vector<16xf32>,
      %add3A_181 = arith.constant 20480 : i32
      %add3A_182 = vector.broadcast %add3A_181 : i32 to vector<16xi32>
      %add3A_183 = arith.addi %get3A_162, %add3A_182 : vector<16xi32>
      tpu.vector_store_idx %arg9[%add3A_183], %get3A_180 {add = true} : memref<24576xf32, #tpu.memory_space<vmem>>[vector<16xi32>], vector<16xf32>,
      %add3A_184 = arith.constant 12288 : i32
      %add3A_185 = arith.addi %add3A_184, %add3A_160 : i32
      %get3A_186 = arith.index_cast %add3A_185 : i32 to index
      %get3A_187 = tpu.vector_load %arg8[%get3A_186] {strides = array<i32>} : memref<24576xf32, #tpu.memory_space<vmem>>, vector<16xf32>,
      %add3A_188 = arith.constant 21504 : i32
      %add3A_189 = vector.broadcast %add3A_188 : i32 to vector<16xi32>
      %add3A_190 = arith.addi %get3A_162, %add3A_189 : vector<16xi32>
      tpu.vector_store_idx %arg9[%add3A_190], %get3A_187 {add = true} : memref<24576xf32, #tpu.memory_space<vmem>>[vector<16xi32>], vector<16xf32>,
      %add3A_191 = arith.constant 16384 : i32
      %add3A_192 = arith.addi %add3A_191, %add3A_160 : i32
      %get3A_193 = arith.index_cast %add3A_192 : i32 to index
      %get3A_194 = tpu.vector_load %arg8[%get3A_193] {strides = array<i32>} : memref<24576xf32, #tpu.memory_space<vmem>>, vector<16xf32>,
      %add3A_195 = arith.constant 22528 : i32
      %add3A_196 = vector.broadcast %add3A_195 : i32 to vector<16xi32>
      %add3A_197 = arith.addi %get3A_162, %add3A_196 : vector<16xi32>
      tpu.vector_store_idx %arg9[%add3A_197], %get3A_194 {add = true} : memref<24576xf32, #tpu.memory_space<vmem>>[vector<16xi32>], vector<16xf32>,
      %add3A_198 = arith.constant 20480 : i32
      %add3A_199 = arith.addi %add3A_198, %add3A_160 : i32
      %get3A_200 = arith.index_cast %add3A_199 : i32 to index
      %get3A_201 = tpu.vector_load %arg8[%get3A_200] {strides = array<i32>} : memref<24576xf32, #tpu.memory_space<vmem>>, vector<16xf32>,
      %add3A_202 = arith.constant 23552 : i32
      %add3A_203 = vector.broadcast %add3A_202 : i32 to vector<16xi32>
      %add3A_204 = arith.addi %get3A_162, %add3A_203 : vector<16xi32>
      tpu.vector_store_idx %arg9[%add3A_204], %get3A_201 {add = true} : memref<24576xf32, #tpu.memory_space<vmem>>[vector<16xi32>], vector<16xf32>,
      %mul3A_205 = arith.constant 64 : i32
      %mul3A_206 = arith.muli %scan3A_60, %mul3A_205 : i32
      %add3A_207 = arith.constant 48 : i32
      %add3A_208 = arith.addi %mul3A_206, %add3A_207 : i32
      %get3A_209 = arith.index_cast %add3A_208 : i32 to index
      %get3A_210 = tpu.vector_load %arg6[%get3A_209] {strides = array<i32>} : memref<4096xi32, #tpu.memory_space<vmem>>, vector<16xi32>,
      %add3A_211 = arith.constant 0 : i32
      %add3A_212 = arith.addi %add3A_211, %add3A_208 : i32
      %get3A_213 = arith.index_cast %add3A_212 : i32 to index
      %get3A_214 = tpu.vector_load %arg8[%get3A_213] {strides = array<i32>} : memref<24576xf32, #tpu.memory_space<vmem>>, vector<16xf32>,
      %add3A_215 = arith.constant 18432 : i32
      %add3A_216 = vector.broadcast %add3A_215 : i32 to vector<16xi32>
      %add3A_217 = arith.addi %get3A_210, %add3A_216 : vector<16xi32>
      tpu.vector_store_idx %arg9[%add3A_217], %get3A_214 {add = true} : memref<24576xf32, #tpu.memory_space<vmem>>[vector<16xi32>], vector<16xf32>,
      %add3A_218 = arith.constant 4096 : i32
      %add3A_219 = arith.addi %add3A_218, %add3A_208 : i32
      %get3A_220 = arith.index_cast %add3A_219 : i32 to index
      %get3A_221 = tpu.vector_load %arg8[%get3A_220] {strides = array<i32>} : memref<24576xf32, #tpu.memory_space<vmem>>, vector<16xf32>,
      %add3A_222 = arith.constant 19456 : i32
      %add3A_223 = vector.broadcast %add3A_222 : i32 to vector<16xi32>
      %add3A_224 = arith.addi %get3A_210, %add3A_223 : vector<16xi32>
      tpu.vector_store_idx %arg9[%add3A_224], %get3A_221 {add = true} : memref<24576xf32, #tpu.memory_space<vmem>>[vector<16xi32>], vector<16xf32>,
      %add3A_225 = arith.constant 8192 : i32
      %add3A_226 = arith.addi %add3A_225, %add3A_208 : i32
      %get3A_227 = arith.index_cast %add3A_226 : i32 to index
      %get3A_228 = tpu.vector_load %arg8[%get3A_227] {strides = array<i32>} : memref<24576xf32, #tpu.memory_space<vmem>>, vector<16xf32>,
      %add3A_229 = arith.constant 20480 : i32
      %add3A_230 = vector.broadcast %add3A_229 : i32 to vector<16xi32>
      %add3A_231 = arith.addi %get3A_210, %add3A_230 : vector<16xi32>
      tpu.vector_store_idx %arg9[%add3A_231], %get3A_228 {add = true} : memref<24576xf32, #tpu.memory_space<vmem>>[vector<16xi32>], vector<16xf32>,
      %add3A_232 = arith.constant 12288 : i32
      %add3A_233 = arith.addi %add3A_232, %add3A_208 : i32
      %get3A_234 = arith.index_cast %add3A_233 : i32 to index
      %get3A_235 = tpu.vector_load %arg8[%get3A_234] {strides = array<i32>} : memref<24576xf32, #tpu.memory_space<vmem>>, vector<16xf32>,
      %add3A_236 = arith.constant 21504 : i32
      %add3A_237 = vector.broadcast %add3A_236 : i32 to vector<16xi32>
      %add3A_238 = arith.addi %get3A_210, %add3A_237 : vector<16xi32>
      tpu.vector_store_idx %arg9[%add3A_238], %get3A_235 {add = true} : memref<24576xf32, #tpu.memory_space<vmem>>[vector<16xi32>], vector<16xf32>,
      %add3A_239 = arith.constant 16384 : i32
      %add3A_240 = arith.addi %add3A_239, %add3A_208 : i32
      %get3A_241 = arith.index_cast %add3A_240 : i32 to index
      %get3A_242 = tpu.vector_load %arg8[%get3A_241] {strides = array<i32>} : memref<24576xf32, #tpu.memory_space<vmem>>, vector<16xf32>,
      %add3A_243 = arith.constant 22528 : i32
      %add3A_244 = vector.broadcast %add3A_243 : i32 to vector<16xi32>
      %add3A_245 = arith.addi %get3A_210, %add3A_244 : vector<16xi32>
      tpu.vector_store_idx %arg9[%add3A_245], %get3A_242 {add = true} : memref<24576xf32, #tpu.memory_space<vmem>>[vector<16xi32>], vector<16xf32>,
      %add3A_246 = arith.constant 20480 : i32
      %add3A_247 = arith.addi %add3A_246, %add3A_208 : i32
      %get3A_248 = arith.index_cast %add3A_247 : i32 to index
      %get3A_249 = tpu.vector_load %arg8[%get3A_248] {strides = array<i32>} : memref<24576xf32, #tpu.memory_space<vmem>>, vector<16xf32>,
      %add3A_250 = arith.constant 23552 : i32
      %add3A_251 = vector.broadcast %add3A_250 : i32 to vector<16xi32>
      %add3A_252 = arith.addi %get3A_210, %add3A_251 : vector<16xi32>
      tpu.vector_store_idx %arg9[%add3A_252], %get3A_249 {add = true} : memref<24576xf32, #tpu.memory_space<vmem>>[vector<16xi32>], vector<16xf32>,
      %scan3A_253 = arith.constant 0 : i32
      scf.yield %scan3A_253 : i32
    }
    %scan3A_57 = arith.constant 64 : i32
    %mul3A_58 = arith.constant 1024 : i32
    %mul3A_59 = arith.muli %mul3A_2, %mul3A_58 : i32
    "tpu.region"() ({
      %run_scoped3A = tpu.sem_alloc : memref<!tpu.dma_semaphore, #tpu.memory_space<semaphore_mem>>
      %dma_start3A_60 = tpu.memref_slice %arg5[%mul3A_59] : memref<786432xf32, #tpu.memory_space<hbm>> -> memref<24576xf32, #tpu.memory_space<hbm>>
      %dma_start3A_61 = tpu.memref_slice %arg5[%mul3A_59] : memref<786432xf32, #tpu.memory_space<hbm>> -> memref<24576xf32, #tpu.memory_space<hbm>>
      tpu.enqueue_dma source(%arg9 : memref<24576xf32, #tpu.memory_space<vmem>>) target(%dma_start3A_61 : memref<24576xf32, #tpu.memory_space<hbm>>) target_semaphore(%run_scoped3A : memref<!tpu.dma_semaphore, #tpu.memory_space<semaphore_mem>>)
      %dma_wait3A_62 = tpu.memref_slice %arg5[%mul3A_59] : memref<786432xf32, #tpu.memory_space<hbm>> -> memref<24576xf32, #tpu.memory_space<hbm>>
      %dma_wait3A_63 = tpu.memref_slice %arg5[%mul3A_59] : memref<786432xf32, #tpu.memory_space<hbm>> -> memref<24576xf32, #tpu.memory_space<hbm>>
      tpu.wait_dma2 semaphore(%run_scoped3A : memref<!tpu.dma_semaphore, #tpu.memory_space<semaphore_mem>>) src(%arg9 : memref<24576xf32, #tpu.memory_space<vmem>>) dst(%dma_wait3A_63 : memref<24576xf32, #tpu.memory_space<hbm>>)
      tpu.yield
    }) : () -> ()
    return
  }
}

module attributes {stable_mosaic.version = 14 : i64} {
  func.func @_assign_body(%arg0: i32, %arg1: memref<512x768xf32, #tpu.memory_space<vmem>>, %arg2: memref<1024x768xbf16, #tpu.memory_space<vmem>>, %arg3: memref<1024x768xf32, #tpu.memory_space<vmem>>, %arg4: memref<512x1xi32, #tpu.memory_space<vmem>>, %arg5: memref<8x1024xf32, #tpu.memory_space<vmem>>) attributes {dimension_semantics = [#tpu.dimension_semantics<arbitrary>], iteration_bounds = array<i64: 8>, scalar_prefetch = 0 : i64, scratch_operands = 1 : i64, tpu.core_type = #tpu.core_type<tc>, window_params = [{transform_indices = @transform_0, window_bounds = array<i64: 512, 768>}, {pipeline_mode = #tpu.pipeline_mode<synchronous>, transform_indices = @transform_1, window_bounds = array<i64: 1024, 768>}, {pipeline_mode = #tpu.pipeline_mode<synchronous>, transform_indices = @transform_2, window_bounds = array<i64: 1024, 768>}, {transform_indices = @transform_3, window_bounds = array<i64: 512, 1>}]} {
    %eq3A = arith.constant 0 : i32
    %eq3A_0 = arith.cmpi eq, %arg0, %eq3A : i32
    %convert_element_type3A = arith.extui %eq3A_0 : i1 to i32
    %cond3A = arith.constant 0 : i32
    %cond3A_1 = arith.cmpi ne, %convert_element_type3A, %cond3A : i32
    scf.if %cond3A_1 {
      %get3A_41 = arith.constant 0 : index
      %get3A_42 = arith.constant 0 : index
      %get3A_43 = vector.load %arg3[%get3A_41, %get3A_42] : memref<1024x768xf32, #tpu.memory_space<vmem>>, vector<1024x768xf32>
      %broadcast_in_dim3A_44 = arith.constant 1.000000e+00 : f32
      %broadcast_in_dim3A_45 = vector.broadcast %broadcast_in_dim3A_44 : f32 to vector<8x768xf32>
      %mul3A_46 = arith.mulf %get3A_43, %get3A_43 : vector<1024x768xf32>
      %dot_general3A_47 = arith.constant dense<0.000000e+00> : vector<8x1024xf32>
      %dot_general3A_48 = tpu.matmul %broadcast_in_dim3A_45, %mul3A_46, %dot_general3A_47 {dimension_numbers = #tpu.dot_dimension_numbers<[1], [1], [0], [0], [0, 0, 1, 0], [], []>, precision = #tpu.contract_precision<fp32>, transpose_lhs_hint = false} : vector<8x768xf32>, vector<1024x768xf32>, vector<8x1024xf32> -> vector<8x1024xf32>
      %swap3A_49 = arith.constant 0 : index
      %swap3A_50 = arith.constant 0 : index
      %swap3A_51 = vector.load %arg5[%swap3A_49, %swap3A_50] : memref<8x1024xf32, #tpu.memory_space<vmem>>, vector<8x1024xf32>
      tpu.vector_store %arg5[%swap3A_49, %swap3A_50], %dot_general3A_48 {strides = array<i32>} : memref<8x1024xf32, #tpu.memory_space<vmem>>, vector<8x1024xf32>,
    } else {
    }
    %get3A = arith.constant 0 : index
    %get3A_2 = arith.constant 0 : index
    %get3A_3 = vector.load %arg1[%get3A, %get3A_2] : memref<512x768xf32, #tpu.memory_space<vmem>>, vector<512x768xf32>
    %convert_element_type3A_4 = arith.truncf %get3A_3 : vector<512x768xf32> to vector<512x768xbf16>
    %get3A_5 = arith.constant 0 : index
    %get3A_6 = arith.constant 0 : index
    %get3A_7 = vector.load %arg2[%get3A_5, %get3A_6] : memref<1024x768xbf16, #tpu.memory_space<vmem>>, vector<1024x768xbf16>
    %dot_general3A = arith.constant dense<0.000000e+00> : vector<512x1024xf32>
    %dot_general3A_8 = tpu.matmul %convert_element_type3A_4, %get3A_7, %dot_general3A {dimension_numbers = #tpu.dot_dimension_numbers<[1], [1], [0], [0], [0, 0, 1, 0], [], []>, transpose_lhs_hint = false} : vector<512x768xbf16>, vector<1024x768xbf16>, vector<512x1024xf32> -> vector<512x1024xf32>
    %mul3A = arith.mulf %get3A_3, %get3A_3 : vector<512x768xf32>
    %reduce_sum3A = arith.constant dense<0.000000e+00> : vector<512xf32>
    %reduce_sum3A_9 = vector.multi_reduction <add>, %mul3A, %reduce_sum3A [1] : vector<512x768xf32> to vector<512xf32>
    %broadcast_in_dim3A = vector.shape_cast %reduce_sum3A_9 : vector<512xf32> to vector<512x1xf32>
    %get3A_10 = arith.constant 0 : index
    %get3A_11 = arith.constant 0 : index
    %get3A_12 = vector.load %arg5[%get3A_10, %get3A_11] : memref<8x1024xf32, #tpu.memory_space<vmem>>, vector<1x1024xf32>
    %mul3A_13 = vector.broadcast %broadcast_in_dim3A : vector<512x1xf32> to vector<512x1024xf32>
    %mul3A_14 = vector.broadcast %get3A_12 : vector<1x1024xf32> to vector<512x1024xf32>
    %mul3A_15 = arith.mulf %mul3A_13, %mul3A_14 : vector<512x1024xf32>
    %rsqrt3A = math.rsqrt %mul3A_15 : vector<512x1024xf32>
    %mul3A_16 = arith.constant 5.000000e-01 : f32
    %mul3A_17 = vector.broadcast %mul3A_16 : f32 to vector<512x1024xf32>
    %mul3A_18 = arith.mulf %mul3A_17, %mul3A_15 : vector<512x1024xf32>
    %mul3A_19 = arith.mulf %mul3A_18, %rsqrt3A : vector<512x1024xf32>
    %mul3A_20 = arith.mulf %mul3A_19, %rsqrt3A : vector<512x1024xf32>
    %sub3A = arith.constant 1.500000e+00 : f32
    %sub3A_21 = vector.broadcast %sub3A : f32 to vector<512x1024xf32>
    %sub3A_22 = arith.subf %sub3A_21, %mul3A_20 : vector<512x1024xf32>
    %mul3A_23 = arith.mulf %rsqrt3A, %sub3A_22 : vector<512x1024xf32>
    %lt3A = arith.constant 1.000000e-16 : f32
    %lt3A_24 = vector.broadcast %lt3A : f32 to vector<512x1024xf32>
    %lt3A_25 = arith.cmpf olt, %mul3A_15, %lt3A_24 : vector<512x1024xf32>
    %jit3A = arith.constant 1.000000e+08 : f32
    %broadcast_in_dim3A_26 = vector.broadcast %jit3A : f32 to vector<512x1024xf32>
    %select_n3A = arith.select %lt3A_25, %broadcast_in_dim3A_26, %mul3A_23 : vector<512x1024xi1>, vector<512x1024xf32>
    %div3A = arith.constant 1.000000e+00 : f32
    %div3A_27 = vector.broadcast %div3A : f32 to vector<512x1024xf32>
    %div3A_28 = arith.divf %select_n3A, %div3A_27 : vector<512x1024xf32>
    %mul3A_29 = arith.mulf %dot_general3A_8, %div3A_28 : vector<512x1024xf32>
    %reduce_max3A = arith.constant dense<0xFF800000> : vector<512xf32>
    %reduce_max3A_30 = vector.multi_reduction <maximumf>, %mul3A_29, %reduce_max3A [1] : vector<512x1024xf32> to vector<512xf32>
    %broadcast_in_dim3A_31 = vector.shape_cast %reduce_max3A_30 : vector<512xf32> to vector<512x1xf32>
    %iota3A = tpu.iota {dimensions = array<i32: 1>} : vector<512x1024xi32>
    %eq3A_32 = vector.broadcast %broadcast_in_dim3A_31 : vector<512x1xf32> to vector<512x1024xf32>
    %eq3A_33 = arith.cmpf oeq, %mul3A_29, %eq3A_32 : vector<512x1024xf32>
    %jit3A_34 = arith.constant 1024 : i32
    %broadcast_in_dim3A_35 = vector.broadcast %jit3A_34 : i32 to vector<512x1024xi32>
    %select_n3A_36 = arith.select %eq3A_33, %iota3A, %broadcast_in_dim3A_35 : vector<512x1024xi1>, vector<512x1024xi32>
    %reduce_min3A = arith.constant dense<2147483647> : vector<512xi32>
    %reduce_min3A_37 = vector.multi_reduction <minsi>, %select_n3A_36, %reduce_min3A [1] : vector<512x1024xi32> to vector<512xi32>
    %broadcast_in_dim3A_38 = vector.shape_cast %reduce_min3A_37 : vector<512xi32> to vector<512x1xi32>
    %swap3A = arith.constant 0 : index
    %swap3A_39 = arith.constant 0 : index
    %swap3A_40 = vector.load %arg4[%swap3A, %swap3A_39] : memref<512x1xi32, #tpu.memory_space<vmem>>, vector<512x1xi32>
    tpu.vector_store %arg4[%swap3A, %swap3A_39], %broadcast_in_dim3A_38 {strides = array<i32>} : memref<512x1xi32, #tpu.memory_space<vmem>>, vector<512x1xi32>,
    return
  }
  func.func @transform_0(%arg0: i32) -> (i32, i32) {
    %c0_i32 = arith.constant 0 : i32
    %c0_i32_0 = arith.constant 0 : i32
    return %arg0, %c0_i32 : i32, i32
  }
  func.func @transform_1(%arg0: i32) -> (i32, i32) {
    %c0_i32 = arith.constant 0 : i32
    %c0_i32_0 = arith.constant 0 : i32
    %c0_i32_1 = arith.constant 0 : i32
    return %c0_i32, %c0_i32_0 : i32, i32
  }
  func.func @transform_2(%arg0: i32) -> (i32, i32) {
    %c0_i32 = arith.constant 0 : i32
    %c0_i32_0 = arith.constant 0 : i32
    %c0_i32_1 = arith.constant 0 : i32
    return %c0_i32, %c0_i32_0 : i32, i32
  }
  func.func @transform_3(%arg0: i32) -> (i32, i32) {
    %c0_i32 = arith.constant 0 : i32
    %c0_i32_0 = arith.constant 0 : i32
    return %arg0, %c0_i32 : i32, i32
  }
}

module attributes {stable_mosaic.version = 14 : i64} {
  func.func @_cluster_body(%arg0: i32, %arg1: i32, %arg2: memref<1024x1xi32, #tpu.memory_space<vmem>>, %arg3: memref<1024xi32, #tpu.memory_space<vmem>>, %arg4: memref<1024x1024xf32, #tpu.memory_space<vmem>>) attributes {dimension_semantics = [#tpu.dimension_semantics<arbitrary>, #tpu.dimension_semantics<arbitrary>], iteration_bounds = array<i64: 4, 4>, scalar_prefetch = 0 : i64, scratch_operands = 0 : i64, tpu.core_type = #tpu.core_type<tc>, window_params = [{transform_indices = @transform_0, window_bounds = array<i64: 1024, 1>}, {transform_indices = @transform_1, window_bounds = array<i64: 1024>}, {transform_indices = @transform_2, window_bounds = array<i64: 1024, 1024>}]} {
    %get3A = arith.constant 0 : index
    %get3A_0 = arith.constant 0 : index
    %get3A_1 = vector.load %arg2[%get3A, %get3A_0] : memref<1024x1xi32, #tpu.memory_space<vmem>>, vector<1024x1xi32>
    %get3A_2 = arith.constant 0 : index
    %get3A_3 = vector.load %arg3[%get3A_2] : memref<1024xi32, #tpu.memory_space<vmem>>, vector<1024xi32>
    %broadcast_in_dim3A = vector.shape_cast %get3A_3 : vector<1024xi32> to vector<1x1024xi32>
    %eq3A = vector.broadcast %get3A_1 : vector<1024x1xi32> to vector<1024x1024xi32>
    %eq3A_4 = vector.broadcast %broadcast_in_dim3A : vector<1x1024xi32> to vector<1024x1024xi32>
    %eq3A_5 = arith.cmpi eq, %eq3A, %eq3A_4 : vector<1024x1024xi32>
    %jit3A = arith.constant 1.000000e+00 : f32
    %jit3A_6 = arith.constant 0.000000e+00 : f32
    %broadcast_in_dim3A_7 = vector.broadcast %jit3A : f32 to vector<1024x1024xf32>
    %broadcast_in_dim3A_8 = vector.broadcast %jit3A_6 : f32 to vector<1024x1024xf32>
    %select_n3A = arith.select %eq3A_5, %broadcast_in_dim3A_7, %broadcast_in_dim3A_8 : vector<1024x1024xi1>, vector<1024x1024xf32>
    %eq3A_9 = arith.cmpi eq, %arg0, %arg1 : i32
    %convert_element_type3A = arith.extui %eq3A_9 : i1 to i32
    %cond3A = arith.constant 0 : i32
    %cond3A_10 = arith.cmpi ne, %convert_element_type3A, %cond3A : i32
    scf.if %cond3A_10 {
      %iota3A = tpu.iota {dimensions = array<i32: 0>} : vector<1024x1024xi32>
      %iota3A_14 = tpu.iota {dimensions = array<i32: 1>} : vector<1024x1024xi32>
      %eq3A_15 = arith.cmpi eq, %iota3A, %iota3A_14 : vector<1024x1024xi32>
      %jit3A_16 = arith.constant 0.000000e+00 : f32
      %broadcast_in_dim3A_17 = vector.broadcast %jit3A_16 : f32 to vector<1024x1024xf32>
      %select_n3A_18 = arith.select %eq3A_15, %broadcast_in_dim3A_17, %select_n3A : vector<1024x1024xi1>, vector<1024x1024xf32>
      %swap3A = arith.constant 0 : index
      %swap3A_19 = arith.constant 0 : index
      %swap3A_20 = vector.load %arg4[%swap3A, %swap3A_19] : memref<1024x1024xf32, #tpu.memory_space<vmem>>, vector<1024x1024xf32>
      tpu.vector_store %arg4[%swap3A, %swap3A_19], %select_n3A_18 {strides = array<i32>} : memref<1024x1024xf32, #tpu.memory_space<vmem>>, vector<1024x1024xf32>,
    } else {
    }
    %ne3A = arith.cmpi ne, %arg0, %arg1 : i32
    %convert_element_type3A_11 = arith.extui %ne3A : i1 to i32
    %cond3A_12 = arith.constant 0 : i32
    %cond3A_13 = arith.cmpi ne, %convert_element_type3A_11, %cond3A_12 : i32
    scf.if %cond3A_13 {
      %swap3A = arith.constant 0 : index
      %swap3A_14 = arith.constant 0 : index
      %swap3A_15 = vector.load %arg4[%swap3A, %swap3A_14] : memref<1024x1024xf32, #tpu.memory_space<vmem>>, vector<1024x1024xf32>
      tpu.vector_store %arg4[%swap3A, %swap3A_14], %select_n3A {strides = array<i32>} : memref<1024x1024xf32, #tpu.memory_space<vmem>>, vector<1024x1024xf32>,
    } else {
    }
    return
  }
  func.func @transform_0(%arg0: i32, %arg1: i32) -> (i32, i32) {
    %c0_i32 = arith.constant 0 : i32
    %c0_i32_0 = arith.constant 0 : i32
    return %arg0, %c0_i32 : i32, i32
  }
  func.func @transform_1(%arg0: i32, %arg1: i32) -> i32 {
    %c0_i32 = arith.constant 0 : i32
    return %arg1 : i32
  }
  func.func @transform_2(%arg0: i32, %arg1: i32) -> (i32, i32) {
    %c0_i32 = arith.constant 0 : i32
    return %arg0, %arg1 : i32, i32
  }
}

module attributes {stable_mosaic.version = 14 : i64} {
  func.func @_final_body(%arg0: memref<786432xf32, #tpu.memory_space<vmem>>, %arg1: memref<1024x768xf32, #tpu.memory_space<vmem>>, %arg2: memref<8x512xi32, #tpu.memory_space<vmem>>, %arg3: memref<1024x768xf32, #tpu.memory_space<vmem>>) attributes {dimension_semantics = [], scalar_prefetch = 0 : i64, scratch_operands = 0 : i64, tpu.core_type = #tpu.core_type<tc>} {
    %iota3A = tpu.iota {dimensions = array<i32: 0>} : vector<1024x512xi32>
    %broadcast_in_dim3A = arith.constant 0.000000e+00 : f32
    %broadcast_in_dim3A_0 = vector.broadcast %broadcast_in_dim3A : f32 to vector<1024x1xf32>
    %get3A = arith.constant 0 : index
    %get3A_1 = arith.constant 0 : index
    %get3A_2 = vector.load %arg2[%get3A, %get3A_1] : memref<8x512xi32, #tpu.memory_space<vmem>>, vector<1x512xi32>
    %get3A_3 = vector.shape_cast %get3A_2 : vector<1x512xi32> to vector<512xi32>
    %broadcast_in_dim3A_4 = vector.shape_cast %get3A_3 : vector<512xi32> to vector<1x512xi32>
    %eq3A = vector.broadcast %broadcast_in_dim3A_4 : vector<1x512xi32> to vector<1024x512xi32>
    %eq3A_5 = arith.cmpi eq, %iota3A, %eq3A : vector<1024x512xi32>
    %jit3A = arith.constant 1.000000e+00 : f32
    %jit3A_6 = arith.constant 0.000000e+00 : f32
    %broadcast_in_dim3A_7 = vector.broadcast %jit3A : f32 to vector<1024x512xf32>
    %broadcast_in_dim3A_8 = vector.broadcast %jit3A_6 : f32 to vector<1024x512xf32>
    %select_n3A = arith.select %eq3A_5, %broadcast_in_dim3A_7, %broadcast_in_dim3A_8 : vector<1024x512xi1>, vector<1024x512xf32>
    %reduce_sum3A = arith.constant dense<0.000000e+00> : vector<1024xf32>
    %reduce_sum3A_9 = vector.multi_reduction <add>, %select_n3A, %reduce_sum3A [1] : vector<1024x512xf32> to vector<1024xf32>
    %broadcast_in_dim3A_10 = vector.shape_cast %reduce_sum3A_9 : vector<1024xf32> to vector<1024x1xf32>
    %add3A = arith.addf %broadcast_in_dim3A_0, %broadcast_in_dim3A_10 : vector<1024x1xf32>
    %get3A_11 = arith.constant 1 : index
    %get3A_12 = arith.constant 0 : index
    %get3A_13 = vector.load %arg2[%get3A_11, %get3A_12] : memref<8x512xi32, #tpu.memory_space<vmem>>, vector<1x512xi32>
    %get3A_14 = vector.shape_cast %get3A_13 : vector<1x512xi32> to vector<512xi32>
    %broadcast_in_dim3A_15 = vector.shape_cast %get3A_14 : vector<512xi32> to vector<1x512xi32>
    %eq3A_16 = vector.broadcast %broadcast_in_dim3A_15 : vector<1x512xi32> to vector<1024x512xi32>
    %eq3A_17 = arith.cmpi eq, %iota3A, %eq3A_16 : vector<1024x512xi32>
    %jit3A_18 = arith.constant 1.000000e+00 : f32
    %jit3A_19 = arith.constant 0.000000e+00 : f32
    %broadcast_in_dim3A_20 = vector.broadcast %jit3A_18 : f32 to vector<1024x512xf32>
    %broadcast_in_dim3A_21 = vector.broadcast %jit3A_19 : f32 to vector<1024x512xf32>
    %select_n3A_22 = arith.select %eq3A_17, %broadcast_in_dim3A_20, %broadcast_in_dim3A_21 : vector<1024x512xi1>, vector<1024x512xf32>
    %reduce_sum3A_23 = arith.constant dense<0.000000e+00> : vector<1024xf32>
    %reduce_sum3A_24 = vector.multi_reduction <add>, %select_n3A_22, %reduce_sum3A_23 [1] : vector<1024x512xf32> to vector<1024xf32>
    %broadcast_in_dim3A_25 = vector.shape_cast %reduce_sum3A_24 : vector<1024xf32> to vector<1024x1xf32>
    %add3A_26 = arith.addf %add3A, %broadcast_in_dim3A_25 : vector<1024x1xf32>
    %get3A_27 = arith.constant 2 : index
    %get3A_28 = arith.constant 0 : index
    %get3A_29 = vector.load %arg2[%get3A_27, %get3A_28] : memref<8x512xi32, #tpu.memory_space<vmem>>, vector<1x512xi32>
    %get3A_30 = vector.shape_cast %get3A_29 : vector<1x512xi32> to vector<512xi32>
    %broadcast_in_dim3A_31 = vector.shape_cast %get3A_30 : vector<512xi32> to vector<1x512xi32>
    %eq3A_32 = vector.broadcast %broadcast_in_dim3A_31 : vector<1x512xi32> to vector<1024x512xi32>
    %eq3A_33 = arith.cmpi eq, %iota3A, %eq3A_32 : vector<1024x512xi32>
    %jit3A_34 = arith.constant 1.000000e+00 : f32
    %jit3A_35 = arith.constant 0.000000e+00 : f32
    %broadcast_in_dim3A_36 = vector.broadcast %jit3A_34 : f32 to vector<1024x512xf32>
    %broadcast_in_dim3A_37 = vector.broadcast %jit3A_35 : f32 to vector<1024x512xf32>
    %select_n3A_38 = arith.select %eq3A_33, %broadcast_in_dim3A_36, %broadcast_in_dim3A_37 : vector<1024x512xi1>, vector<1024x512xf32>
    %reduce_sum3A_39 = arith.constant dense<0.000000e+00> : vector<1024xf32>
    %reduce_sum3A_40 = vector.multi_reduction <add>, %select_n3A_38, %reduce_sum3A_39 [1] : vector<1024x512xf32> to vector<1024xf32>
    %broadcast_in_dim3A_41 = vector.shape_cast %reduce_sum3A_40 : vector<1024xf32> to vector<1024x1xf32>
    %add3A_42 = arith.addf %add3A_26, %broadcast_in_dim3A_41 : vector<1024x1xf32>
    %get3A_43 = arith.constant 3 : index
    %get3A_44 = arith.constant 0 : index
    %get3A_45 = vector.load %arg2[%get3A_43, %get3A_44] : memref<8x512xi32, #tpu.memory_space<vmem>>, vector<1x512xi32>
    %get3A_46 = vector.shape_cast %get3A_45 : vector<1x512xi32> to vector<512xi32>
    %broadcast_in_dim3A_47 = vector.shape_cast %get3A_46 : vector<512xi32> to vector<1x512xi32>
    %eq3A_48 = vector.broadcast %broadcast_in_dim3A_47 : vector<1x512xi32> to vector<1024x512xi32>
    %eq3A_49 = arith.cmpi eq, %iota3A, %eq3A_48 : vector<1024x512xi32>
    %jit3A_50 = arith.constant 1.000000e+00 : f32
    %jit3A_51 = arith.constant 0.000000e+00 : f32
    %broadcast_in_dim3A_52 = vector.broadcast %jit3A_50 : f32 to vector<1024x512xf32>
    %broadcast_in_dim3A_53 = vector.broadcast %jit3A_51 : f32 to vector<1024x512xf32>
    %select_n3A_54 = arith.select %eq3A_49, %broadcast_in_dim3A_52, %broadcast_in_dim3A_53 : vector<1024x512xi1>, vector<1024x512xf32>
    %reduce_sum3A_55 = arith.constant dense<0.000000e+00> : vector<1024xf32>
    %reduce_sum3A_56 = vector.multi_reduction <add>, %select_n3A_54, %reduce_sum3A_55 [1] : vector<1024x512xf32> to vector<1024xf32>
    %broadcast_in_dim3A_57 = vector.shape_cast %reduce_sum3A_56 : vector<1024xf32> to vector<1024x1xf32>
    %add3A_58 = arith.addf %add3A_42, %broadcast_in_dim3A_57 : vector<1024x1xf32>
    %get3A_59 = arith.constant 4 : index
    %get3A_60 = arith.constant 0 : index
    %get3A_61 = vector.load %arg2[%get3A_59, %get3A_60] : memref<8x512xi32, #tpu.memory_space<vmem>>, vector<1x512xi32>
    %get3A_62 = vector.shape_cast %get3A_61 : vector<1x512xi32> to vector<512xi32>
    %broadcast_in_dim3A_63 = vector.shape_cast %get3A_62 : vector<512xi32> to vector<1x512xi32>
    %eq3A_64 = vector.broadcast %broadcast_in_dim3A_63 : vector<1x512xi32> to vector<1024x512xi32>
    %eq3A_65 = arith.cmpi eq, %iota3A, %eq3A_64 : vector<1024x512xi32>
    %jit3A_66 = arith.constant 1.000000e+00 : f32
    %jit3A_67 = arith.constant 0.000000e+00 : f32
    %broadcast_in_dim3A_68 = vector.broadcast %jit3A_66 : f32 to vector<1024x512xf32>
    %broadcast_in_dim3A_69 = vector.broadcast %jit3A_67 : f32 to vector<1024x512xf32>
    %select_n3A_70 = arith.select %eq3A_65, %broadcast_in_dim3A_68, %broadcast_in_dim3A_69 : vector<1024x512xi1>, vector<1024x512xf32>
    %reduce_sum3A_71 = arith.constant dense<0.000000e+00> : vector<1024xf32>
    %reduce_sum3A_72 = vector.multi_reduction <add>, %select_n3A_70, %reduce_sum3A_71 [1] : vector<1024x512xf32> to vector<1024xf32>
    %broadcast_in_dim3A_73 = vector.shape_cast %reduce_sum3A_72 : vector<1024xf32> to vector<1024x1xf32>
    %add3A_74 = arith.addf %add3A_58, %broadcast_in_dim3A_73 : vector<1024x1xf32>
    %get3A_75 = arith.constant 5 : index
    %get3A_76 = arith.constant 0 : index
    %get3A_77 = vector.load %arg2[%get3A_75, %get3A_76] : memref<8x512xi32, #tpu.memory_space<vmem>>, vector<1x512xi32>
    %get3A_78 = vector.shape_cast %get3A_77 : vector<1x512xi32> to vector<512xi32>
    %broadcast_in_dim3A_79 = vector.shape_cast %get3A_78 : vector<512xi32> to vector<1x512xi32>
    %eq3A_80 = vector.broadcast %broadcast_in_dim3A_79 : vector<1x512xi32> to vector<1024x512xi32>
    %eq3A_81 = arith.cmpi eq, %iota3A, %eq3A_80 : vector<1024x512xi32>
    %jit3A_82 = arith.constant 1.000000e+00 : f32
    %jit3A_83 = arith.constant 0.000000e+00 : f32
    %broadcast_in_dim3A_84 = vector.broadcast %jit3A_82 : f32 to vector<1024x512xf32>
    %broadcast_in_dim3A_85 = vector.broadcast %jit3A_83 : f32 to vector<1024x512xf32>
    %select_n3A_86 = arith.select %eq3A_81, %broadcast_in_dim3A_84, %broadcast_in_dim3A_85 : vector<1024x512xi1>, vector<1024x512xf32>
    %reduce_sum3A_87 = arith.constant dense<0.000000e+00> : vector<1024xf32>
    %reduce_sum3A_88 = vector.multi_reduction <add>, %select_n3A_86, %reduce_sum3A_87 [1] : vector<1024x512xf32> to vector<1024xf32>
    %broadcast_in_dim3A_89 = vector.shape_cast %reduce_sum3A_88 : vector<1024xf32> to vector<1024x1xf32>
    %add3A_90 = arith.addf %add3A_74, %broadcast_in_dim3A_89 : vector<1024x1xf32>
    %get3A_91 = arith.constant 6 : index
    %get3A_92 = arith.constant 0 : index
    %get3A_93 = vector.load %arg2[%get3A_91, %get3A_92] : memref<8x512xi32, #tpu.memory_space<vmem>>, vector<1x512xi32>
    %get3A_94 = vector.shape_cast %get3A_93 : vector<1x512xi32> to vector<512xi32>
    %broadcast_in_dim3A_95 = vector.shape_cast %get3A_94 : vector<512xi32> to vector<1x512xi32>
    %eq3A_96 = vector.broadcast %broadcast_in_dim3A_95 : vector<1x512xi32> to vector<1024x512xi32>
    %eq3A_97 = arith.cmpi eq, %iota3A, %eq3A_96 : vector<1024x512xi32>
    %jit3A_98 = arith.constant 1.000000e+00 : f32
    %jit3A_99 = arith.constant 0.000000e+00 : f32
    %broadcast_in_dim3A_100 = vector.broadcast %jit3A_98 : f32 to vector<1024x512xf32>
    %broadcast_in_dim3A_101 = vector.broadcast %jit3A_99 : f32 to vector<1024x512xf32>
    %select_n3A_102 = arith.select %eq3A_97, %broadcast_in_dim3A_100, %broadcast_in_dim3A_101 : vector<1024x512xi1>, vector<1024x512xf32>
    %reduce_sum3A_103 = arith.constant dense<0.000000e+00> : vector<1024xf32>
    %reduce_sum3A_104 = vector.multi_reduction <add>, %select_n3A_102, %reduce_sum3A_103 [1] : vector<1024x512xf32> to vector<1024xf32>
    %broadcast_in_dim3A_105 = vector.shape_cast %reduce_sum3A_104 : vector<1024xf32> to vector<1024x1xf32>
    %add3A_106 = arith.addf %add3A_90, %broadcast_in_dim3A_105 : vector<1024x1xf32>
    %get3A_107 = arith.constant 7 : index
    %get3A_108 = arith.constant 0 : index
    %get3A_109 = vector.load %arg2[%get3A_107, %get3A_108] : memref<8x512xi32, #tpu.memory_space<vmem>>, vector<1x512xi32>
    %get3A_110 = vector.shape_cast %get3A_109 : vector<1x512xi32> to vector<512xi32>
    %broadcast_in_dim3A_111 = vector.shape_cast %get3A_110 : vector<512xi32> to vector<1x512xi32>
    %eq3A_112 = vector.broadcast %broadcast_in_dim3A_111 : vector<1x512xi32> to vector<1024x512xi32>
    %eq3A_113 = arith.cmpi eq, %iota3A, %eq3A_112 : vector<1024x512xi32>
    %jit3A_114 = arith.constant 1.000000e+00 : f32
    %jit3A_115 = arith.constant 0.000000e+00 : f32
    %broadcast_in_dim3A_116 = vector.broadcast %jit3A_114 : f32 to vector<1024x512xf32>
    %broadcast_in_dim3A_117 = vector.broadcast %jit3A_115 : f32 to vector<1024x512xf32>
    %select_n3A_118 = arith.select %eq3A_113, %broadcast_in_dim3A_116, %broadcast_in_dim3A_117 : vector<1024x512xi1>, vector<1024x512xf32>
    %reduce_sum3A_119 = arith.constant dense<0.000000e+00> : vector<1024xf32>
    %reduce_sum3A_120 = vector.multi_reduction <add>, %select_n3A_118, %reduce_sum3A_119 [1] : vector<1024x512xf32> to vector<1024xf32>
    %broadcast_in_dim3A_121 = vector.shape_cast %reduce_sum3A_120 : vector<1024xf32> to vector<1024x1xf32>
    %add3A_122 = arith.addf %add3A_106, %broadcast_in_dim3A_121 : vector<1024x1xf32>
    %eq3A_123 = arith.constant 0.000000e+00 : f32
    %eq3A_124 = vector.broadcast %eq3A_123 : f32 to vector<1024x1xf32>
    %eq3A_125 = arith.cmpf oeq, %add3A_122, %eq3A_124 : vector<1024x1xf32>
    %jit3A_126 = arith.constant 1.000000e+00 : f32
    %jit3A_127 = arith.constant 0.000000e+00 : f32
    %broadcast_in_dim3A_128 = vector.broadcast %jit3A_126 : f32 to vector<1024x1xf32>
    %broadcast_in_dim3A_129 = vector.broadcast %jit3A_127 : f32 to vector<1024x1xf32>
    %select_n3A_130 = arith.select %eq3A_125, %broadcast_in_dim3A_128, %broadcast_in_dim3A_129 : vector<1024x1xi1>, vector<1024x1xf32>
    %mul3A = arith.constant 1.000000e-03 : f32
    %mul3A_131 = vector.broadcast %mul3A : f32 to vector<1024x1xf32>
    %mul3A_132 = arith.mulf %mul3A_131, %select_n3A_130 : vector<1024x1xf32>
    %add3A_133 = arith.constant 9.990000e-01 : f32
    %add3A_134 = vector.broadcast %add3A_133 : f32 to vector<1024x1xf32>
    %add3A_135 = arith.addf %add3A_134, %mul3A_132 : vector<1024x1xf32>
    %get3A_136 = arith.constant 0 : index
    %get3A_137 = vector.load %arg0[%get3A_136] : memref<786432xf32, #tpu.memory_space<vmem>>, vector<786432xf32>
    %reshape3A = vector.shape_cast %get3A_137 : vector<786432xf32> to vector<768x1024xf32>
    %transpose3A = tpu.transpose %reshape3A, [1, 0] : vector<768x1024xf32> -> vector<1024x768xf32>
    %mul3A_138 = arith.constant 1.000000e-03 : f32
    %mul3A_139 = vector.broadcast %mul3A_138 : f32 to vector<1024x768xf32>
    %mul3A_140 = arith.mulf %mul3A_139, %transpose3A : vector<1024x768xf32>
    %get3A_141 = arith.constant 0 : index
    %get3A_142 = arith.constant 0 : index
    %get3A_143 = vector.load %arg1[%get3A_141, %get3A_142] : memref<1024x768xf32, #tpu.memory_space<vmem>>, vector<1024x768xf32>
    %mul3A_144 = vector.broadcast %add3A_135 : vector<1024x1xf32> to vector<1024x768xf32>
    %mul3A_145 = arith.mulf %mul3A_144, %get3A_143 : vector<1024x768xf32>
    %add3A_146 = arith.addf %mul3A_140, %mul3A_145 : vector<1024x768xf32>
    %swap3A = arith.constant 0 : index
    %swap3A_147 = arith.constant 0 : index
    %swap3A_148 = vector.load %arg3[%swap3A, %swap3A_147] : memref<1024x768xf32, #tpu.memory_space<vmem>>, vector<1024x768xf32>
    tpu.vector_store %arg3[%swap3A, %swap3A_147], %add3A_146 {strides = array<i32>} : memref<1024x768xf32, #tpu.memory_space<vmem>>, vector<1024x768xf32>,
    return
  }
}

</mosaic_0001>

<sc_bundles>
// kernel: kernel.6.cloned.1.call-start
scs
__scs_entry_jumppad:
0x0: {  	(pc) =	sbr.rel $0x88, $3  }
0x1: {  	(tag) =	ssettag $0x0;
	lr =	simm.s32 $0x1  }
0x2: {  	[smem:$0x3F9F] =	sst lr;
	_ =	strace $0xD0000000  }
0x3: {  	_ = 	snop  }
0x4: {  	_ = 	snop  }
0x5: {  	_ = 	snop  }
0x6: {  	_ = 	snop  }
0x7: {  	_ = 	snop  }
__scs_overlays_trampoline_lowered:
0x8: {  	[smem:$0x3FAE] =	sst s0  }
0x9: {  	[smem:$0x3FAF] =	sst s1  }
0xa: {  	[smem:$0x3FB0] =	sst s2  }
0xb: {  	[smem:$0x3FB1] =	sst s3  }
0xc: {  	[smem:$0x3FB2] =	sst s4  }
0xd: {  	[smem:$0x3FB3] =	sst s5  }
0xe: {  	[smem:$0x3FB4] =	sst s6  }
0xf: {  	[smem:$0x3FB5] =	sst s7  }
0x10: {  	[smem:$0x3FB6] =	sst s8  }
0x11: {  	[smem:$0x3FB7] =	sst s9;
	s0 =	simm.s32 @!p0 $0x0  }
0x12: {  	s1 =	sld [smem:$0x3F9D];
	s0 =	simm.s32 @p0 $0x1  }
0x13: {  	[smem:$0x3FB8] =	sst s0;
	s0 =	simm.s32 @!p1 $0x0  }
0x14: {  	s2 =	sld [smem:$0x3F9C];
	s0 =	simm.s32 @p1 $0x1  }
0x15: {  	[smem:$0x3FB9] =	sst s0;
	s0 =	simm.s32 @!p2 $0x0  }
0x16: {  	s3 =	sld [smem:$0x3FDB];
	s0 =	simm.s32 @p2 $0x1  }
0x17: {  	s4 =	simm.s32 $0x1BF5;
	[smem:$0x3FBB] =	sst s0  }
0x18: {  	s0 =	sld [smem:$0x3F9E];
	_ =	swait.ge [sflag:s4], $0x0  }
0x19: {  	s7 =	sld [smem:$0x3F9F]  }
0x1a: {  	s8 =	sadd.s32 $0xFFFFE003, lr  }
0x1b: {  	s9 =	sadd.s32 $0xFFFFFEF7, lr;
	s5 =	simm.s32 $0xFFFFFFFF;
	p2 =	slt.u32 s8, $0xFFFFF086  }
0x1c: {  	p1 =	slt.u32 s9, $0xF7A;
	s5 =	simm.s32 @!p2 $0x0  }
0x1d: {  	s5 =	simm.s32 @p1 $0x1;
	p0 =	seq.s32 s7, s2  }
0x1e: {  	s7 =	smul.u32 @!p0 $0xF7A, s2;
	p2 =	seq.s32 @!p0 s5, $0x0  }
0x1f: {  	s9 =	smul.u32 $0xF7A, s1;
	s8 =	simm.s32 @!p0 $0x1BF5;
	p2 =	por !p2, p0  }
0x20: {  	[sflag:s8] =	ssyncset.s32 @!p0 $0xFFFFF086;
	s6 =	sadd.s32 @!p0 s3, s7;
	s7 =	simm.s32 @!p0 $0x108  }
0x21: {  	s3 =	sadd.s32 s3, s9;
	s6 =	sadd.s32 @!p0 $0x88, s6;
	s7 =	simm.s32 @p2 $0x1082  }
0x22: {  	[simem:s7], [sflag:s8] =	dma.local @!p0 [hbm:s6], $0xF7A  }
0x23: {  	s9 =	sor.u32 $0xD0000000, s2;
	s6 =	simm.s32 $0x108;
	_ =	swait.ge @!p0 [sflag:s8], $0x0  }
0x24: {  	s3 =	sadd.s32 $0x88, s3;
	s6 =	simm.s32 @!p1 $0x1082;
	[sflag:s4] =	ssyncset.s32 $0xFFFFF086  }
0x25: {  	[simem:s6], [sflag:s4] =	dma.local [hbm:s3], $0xF7A  }
0x26: {  	[smem:$0x3F9F] =	sst s1;
	(tag) =	ssettag s2;
	_ =	strace s9  }
0x27: {  	s1 =	sld [smem:$0x3FAF]  }
0x28: {  	s2 =	sld [smem:$0x3FB0]  }
0x29: {  	s4 =	sld [smem:$0x3FB2]  }
0x2a: {  	p0 =	seq.s32 s5, $0x0;
	s5 =	sld [smem:$0x3FB3]  }
0x2b: {  	s6 =	sld [smem:$0x3FB4]  }
0x2c: {  	s7 =	sld [smem:$0x3FB5]  }
0x2d: {  	s3 =	simm.s32 $0x108;
	s8 =	sld [smem:$0x3FB6]  }
0x2e: {  	s3 =	simm.s32 @!p0 $0x1082;
	s9 =	sld [smem:$0x3FB7]  }
0x2f: {  	lr =	sadd.s32 s0, s3;
	s0 =	sld [smem:$0x3FAE]  }
0x30: {  	s3 =	sld [smem:$0x3FB1]  }
0x31: {  	[smem:$0x3FBA] =	sst s10  }
0x32: {  	s10 =	sld [smem:$0x3FB8];
	_ =	sdelay $0x3  }
0x33: {  	p0 =	seq.s32 s10, $0x1;
	s10 =	sld [smem:$0x3FBA];
	_ =	sdelay $0x3  }
0x34: {  	[smem:$0x3FBA] =	sst s10  }
0x35: {  	s10 =	sld [smem:$0x3FB9];
	_ =	sdelay $0x3  }
0x36: {  	p1 =	seq.s32 s10, $0x1;
	s10 =	sld [smem:$0x3FBA];
	_ =	sdelay $0x3  }
0x37: {  	[smem:$0x3FBA] =	sst s10  }
0x38: {  	s10 =	sld [smem:$0x3FBB]  }
0x39: {  	_ = 	snop;
	(pc) =	sbr.ind lr, $3  }
0x3a: {  	_ = 	snop  }
0x3b: {  	_ = 	snop  }
0x3c: {  	p2 =	seq.s32 s10, $0x1;
	s10 =	sld [smem:$0x3FBA]  }
0x3d: {  	_ =	shalt  }
0x3e: {  	_ =	shalt  }
0x3f: {  	_ =	shalt  }
0x40: {  	_ =	shalt  }
0x41: {  	_ =	shalt  }
0x42: {  	_ =	shalt  }
0x43: {  	_ =	shalt  }
0x44: {  	_ =	shalt  }
0x45: {  	_ =	shalt  }
0x46: {  	_ =	shalt  }
0x47: {  	_ =	shalt  }
0x48: {  	_ =	shalt  }
0x49: {  	_ =	shalt  }
0x4a: {  	_ =	shalt  }
0x4b: {  	_ =	shalt  }
0x4c: {  	_ =	shalt  }
0x4d: {  	_ =	shalt  }
0x4e: {  	_ =	shalt  }
0x4f: {  	_ =	shalt  }
0x50: {  	_ =	shalt  }
0x51: {  	_ =	shalt  }
0x52: {  	_ =	shalt  }
0x53: {  	_ =	shalt  }
0x54: {  	_ =	shalt  }
0x55: {  	_ =	shalt  }
0x56: {  	_ =	shalt  }
0x57: {  	_ =	shalt  }
0x58: {  	_ =	shalt  }
0x59: {  	_ =	shalt  }
0x5a: {  	_ =	shalt  }
0x5b: {  	_ =	shalt  }
0x5c: {  	_ =	shalt  }
0x5d: {  	_ =	shalt  }
0x5e: {  	_ =	shalt  }
0x5f: {  	_ =	shalt  }
0x60: {  	_ =	shalt  }
0x61: {  	_ =	shalt  }
0x62: {  	_ =	shalt  }
0x63: {  	_ =	shalt  }
0x64: {  	_ =	shalt  }
0x65: {  	_ =	shalt  }
0x66: {  	_ =	shalt  }
0x67: {  	_ =	shalt  }
0x68: {  	_ =	shalt  }
0x69: {  	_ =	shalt  }
0x6a: {  	_ =	shalt  }
0x6b: {  	_ =	shalt  }
0x6c: {  	_ =	shalt  }
0x6d: {  	_ =	shalt  }
0x6e: {  	_ =	shalt  }
0x6f: {  	_ =	shalt  }
0x70: {  	_ =	shalt  }
0x71: {  	_ =	shalt  }
0x72: {  	_ =	shalt  }
0x73: {  	_ =	shalt  }
0x74: {  	_ =	shalt  }
0x75: {  	_ =	shalt  }
0x76: {  	_ =	shalt  }
0x77: {  	_ =	shalt  }
0x78: {  	_ =	shalt  }
0x79: {  	_ =	shalt  }
0x7a: {  	_ =	shalt  }
0x7b: {  	_ =	shalt  }
0x7c: {  	_ =	shalt  }
0x7d: {  	_ =	shalt  }
0x7e: {  	_ =	shalt  }
0x7f: {  	_ =	shalt  }
0x80: {  	_ =	shalt  }
0x81: {  	_ =	shalt  }
0x82: {  	_ =	shalt  }
0x83: {  	_ =	shalt  }
0x84: {  	_ =	shalt  }
0x85: {  	_ =	shalt  }
0x86: {  	_ =	shalt  }
0x87: {  	_ =	shalt  }
.Lfunc_end0:
.L_simem_size_0:
called_computation_lowered:
.L_overlay_start_0:
0x88: {  	s2 =	sld [smem:$0x3FD9]  }
0x89: {  	s3 =	sld [smem:$0x3FFE];
	_ =	sdelay $0x1  }
0x8a: {  	s1 =	srdreg.scid  }
0x8b: {  	s0 =	sand.u32 $0x1, s1  }
0x8c: {  	s14 =	sshll.u32 s0, $0xA;
	s2 =	sadd.s32 s3, s2  }
0x8d: {  	s2 =	sadd.s32 s2, s14  }
0x8e: {  	[smem:$0x3FC6] =	sst s2  }
0x8f: {  	_ = 	snop  }
0x90: {  	s2 =	sld [smem:$0x3FD0];
	_ =	sdelay $0x2  }
0x91: {  	s15 =	simm.s32 $0xA;
	s4 =	simm.s32 $0x10  }
0x92: {  	[smem:s4], [sflag:s15] =	dma.local [hbm:s2], $0x1  }
0x93: {  	_ =	swait.eq [sflag:s15], $0x1  }
0x94: {  	[sflag:s15] =	ssyncset.done $0x0  }
0x95: {  	[sflag:s15] =	ssyncadd.s32 $0xFFFFFFFF  }
0x96: {  	s16 =	sld [smem:$0x10];
	(tm) =	ssettm $0x1  }
0x97: {  	s17 =	sld [smem:$0x3FFB];
	_ =	sdelay $0x3  }
0x98: {  	_ =	strace s17  }
0x99: {  	s3 =	sld [smem:$0x3FFC];
	_ =	sdelay $0x3  }
0x9a: {  	_ =	strace s3  }
0x9b: {  	s3 =	sld [smem:$0x3FFD];
	_ =	sdelay $0x3  }
0x9c: {  	_ =	strace s3  }
0x9d: {  	_ =	strace $0x8FFFFFFF  }
0x9e: {  	s18 =	sld [smem:$0x3FDB];
	_ =	sdelay $0x1  }
0x9f: {  	s19 =	simm.s32 $_scs_section_size  }
0xa0: {  	s5 =	simm.s32 $_size__tile_overlayer_lowered;
	s6 =	simm.s32 $_tile_overlayer_lowered  }
0xa1: {  	s22 =	simm.s32 $0x1BFF;
	s21 =	sshll.u32 s6, $0x1;
	s3 =	sadd.s32 s19, s18  }
0xa2: {  	s7 =	simm.s32 $0x0;
	s20 =	sshll.u32 s5, $0x1;
	s5 =	sadd.s32 s21, s3  }
0xa3: {  	[timem:s7], [sflag:s22] =	dma.local [hbm:s5], s20  }
0xa4: {  	_ =	swait.ge [sflag:s22], s20  }
0xa5: {  	s4 =	ssub.s32 $0x0, s20;
	[sflag:s22] =	ssyncset.done $0x0  }
0xa6: {  	[sflag:s22] =	ssyncadd.s32 s4;
	_ =	sdelay $0x1  }
0xa7: {  	s23 =	simm.s32 $0x1B8B  }
0xa8: {  	_ =	swait.ge [sflag:s23], $0x1  }
0xa9: {  	[sflag:s23] =	ssyncset.done $0x0  }
0xaa: {  	s25 =	simm.s32 $0x1B8E;
	s24 =	sld [smem:$0x3FFE];
	[sflag:s23] =	ssyncadd.s32 $0xFFFFFFFF  }
0xab: {  	s26 =	simm.s32 $execute0_lowered;
	[smem:$0x3FD2] =	sst s25  }
0xac: {  	s5 =	sshll.u32 s26, $0x1;
	_ =	strace $0x80000046;
	[dreg:$0x1] =	wrdreg $0xFFFFFFFF  }
0xad: {  	s28 =	simm.s32 $_size_execute0_lowered;
	s3 =	sadd.s32 s3, s5;
	[dreg:$0x0] =	wrdreg $0x0  }
0xae: {  	s5 =	sshll.u32 s28, $0x1;
	[dreg:$0x2] =	wrdreg s3  }
0xaf: {  	[dreg:$0x3] =	wrdreg s5  }
0xb0: {  	[dreg:$0x4] =	wrdreg $0xC0  }
0xb1: {  	_ =	task [dreg:s7], $0x5FFFF  }
0xb2: {  	[dreg:$0x1] =	wrdreg $0xFFFFFFFF  }
0xb3: {  	[dreg:$0x0] =	wrdreg $0x60  }
0xb4: {  	[dreg:$0x2] =	wrdreg s24  }
0xb5: {  	[dreg:$0x3] =	wrdreg s16  }
0xb6: {  	[dreg:$0x4] =	wrdreg $0x9  }
0xb7: {  	_ =	task.clear_ibuf [dreg:s7], $0x5FFFF;
	_ =	strace $0x90000046  }
0xb8: {  	s29 =	simm.s32 $0x9;
	_ =	strace $0x80000048  }
0xb9: {  	_ =	swait.ge [sflag:s29], $0x1  }
0xba: {  	[sflag:s29] =	ssyncadd.s32 $0xFFFFFFFF  }
0xbb: {  	_ =	strace $0x90000048  }
0xbc: {  	_ =	sfence  }
0xbd: {  	s30 =	sld [smem:$0x0];
	_ =	sdelay $0x2  }
0xbe: {  	s31 =	sshll.u32 s1, $0xD;
	s1 =	sshrl.u32 s1, $0x2  }
0xbf: {  	s3 =	sand.u32 $0x4000, s31;
	s1 =	sadd.s32 s1, s30  }
0xc0: {  	s0 =	sor.u32 s3, s0;
	s1 =	sshll.u32 s1, $0x11  }
0xc1: {  	s0 =	sor.u32 s1, s0  }
0xc2: {  	s0 =	sadd.s32 $0x8F2B, s0  }
0xc3: {  	[sflag:s0] =	ssyncadd.remote.s32 $0x1  }
0xc4: {  	_ =	sfence.sel $0xFFFF  }
0xc5: {  	[dreg:$0x0] =	wrdreg $0xFFFFFFFF;
	(pc) =	sbr.abs _section_cstart, $3  }
0xc6: {  	[dreg:$0x1] =	wrdreg $0xFFFFFFFF  }
0xc7: {  	_ =	task.clear_ibuf [dreg:s7], $0x2FFFF;
	_ =	strace $0x9FFFFFFF  }
0xc8: {  	(tm) =	ssettm $0x7FFFFFFF  }
0xc9: {  	_ =	shalt  }
tec
execute0_lowered:
.L_overlay_start_1:
0x0: {  	(tag) =	ssettag $0x1  }
0x1: {  	s4 =	rddreg [dreg:$0x0]  }
0x2: {  	s9 =	rddreg [dreg:$0x1]  }
0x3: {  	s1 =	srdreg.scid;
	s0 =	rddreg [dreg:$0x2];
	s2 =	simm.s32 $0x0  }
0x4: {  	s12 =	simm.s32 $0x3;
	s13 =	simm.s32 $0x1000;
	s14 =	simm.s32 $0x7000  }
0x5: {  	s15 =	simm.s32 $0x1;
	s16 =	simm.s32 $0x2;
	s3 =	sand.u32 $0x1, s1  }
0x6: {  	s17 =	simm.s32 $0x0;
	s1 =	stileid.u32;
	s5 =	sshll.u32 s3, $0x4  }
0x7: {  	[smem:$0x7FF] =	sst s2;
	s7 =	sadd.s32 $0x800, s4;
	s6 =	sor.u32 s1, s5  }
0x8: {  	_ =	strace $0x80000047;
	s30 =	ssub.s32 $0x2, s3;
	s8 =	smul.u32 $0x18000, s6  }
0x9: {  	s3 =	sadd.s32 $0x60800, s4;
	s10 =	sshrl.u32 s30, $0x1;
	s11 =	smul.u32 $0x3000, s6  }
0xa: {  	s4 =	sadd.s32 $0x60A00, s4;
	s10 =	ssub.s32 s30, s10;
	s31 =	smul.u32 $0xC00, s6  }
0xb: {  	s10 =	smax.u32 s10, $0x1;
	s8 =	sshrl.u32 s8, $0x3;
	s5 =	sadd.s32 s7, s11  }
0xc: {  	s9 =	sadd.s32 s9, s31;
	s11 =	simm.s32 $0xD000;
	s8 =	sadd.s32 s7, s8  }
0xd: {  	s6 =	sadd.s32 $0xC00, s5;
	s7 =	sadd.s32 $0x1800, s8;
	s8 =	sadd.s32 $0x2400, s8  }
.LBB2_1:
0xe: {  	[tilespmem:s11], [sflag:$0x3] =	stream.linear.gather [hbm4b:s4+s2], $0x6000, $0x38;
	[tilespmem:$0x13000] =	vst v63  }
0xf: {  	_ =	swait.ge [sflag:s12], $0x6000  }
0x10: {  	[sflag:s12] =	ssyncset.done $0x0  }
0x11: {  	[sflag:s12] =	ssyncadd.s32 $0xFFFFA000  }
0x12: {  	[tilespmem:s2], [sflag:$0x3] =	stream.linear.gather [hbm4b:s3+s2], $0x1000, $0x38;
	[tilespmem:$0x13000] =	vst v63  }
0x13: {  	_ =	swait.ge [sflag:s12], $0x1000  }
0x14: {  	[sflag:s12] =	ssyncset.done $0x0  }
0x15: {  	[sflag:s12] =	ssyncadd.s32 $0xFFFFF000  }
0x16: {  	[tilespmem:s13], [sflag:$0x1] =	stream.linear.gather [hbm4b:s5+s2], $0x6000, $0x38;
	[tilespmem:$0x13000] =	vst v63  }
0x17: {  	_ = 	snop  }
0x18: {  	[tilespmem:s14], [sflag:$0x2] =	stream.linear.gather [hbm4b:s6+s2], $0x6000, $0x38;
	[tilespmem:$0x13000] =	vst v63  }
0x19: {  	_ =	swait.ge [sflag:s15], $0x6000  }
0x1a: {  	[sflag:s15] =	ssyncset.done $0x0  }
0x1b: {  	s18 =	simm.s32 $0x0;
	[sflag:s15] =	ssyncadd.s32 $0xFFFFA000  }
.LBB2_2:
0x1c: {  	s19 =	sshra.s32 s18, $0x2  }
0x1d: {  	v0 =	vld [tilespmem:s19+$0x0];
	_ =	sdelay $0x2  }
0x1e: {  	v1 =	vld [tilespmem:s19+$0x1000];
	_ =	sdelay $0x4  }
0x1f: {  	[tilespmem:v0+s11+$0x0] =	vst.idx.add.f32.msk $0xffff, v1  }
0x20: {  	v2 =	vadd.s32 $0x400, v0;
	v1 =	vld [tilespmem:s19+$0x2000];
	_ =	sdelay $0x4  }
0x21: {  	[tilespmem:v2+s11+$0x0] =	vst.idx.add.f32.msk $0xffff, v1  }
0x22: {  	v49 =	vadd.s32 $0x800, v0;
	v1 =	vld [tilespmem:s19+$0x3000];
	_ =	sdelay $0x4  }
0x23: {  	[tilespmem:v49+s11+$0x0] =	vst.idx.add.f32.msk $0xffff, v1  }
0x24: {  	v50 =	vadd.s32 $0xC00, v0;
	v1 =	vld [tilespmem:s19+$0x4000];
	_ =	sdelay $0x4  }
0x25: {  	[tilespmem:v50+s11+$0x0] =	vst.idx.add.f32.msk $0xffff, v1  }
0x26: {  	v51 =	vadd.s32 $0x1000, v0;
	v1 =	vld [tilespmem:s19+$0x5000];
	_ =	sdelay $0x4  }
0x27: {  	[tilespmem:v51+s11+$0x0] =	vst.idx.add.f32.msk $0xffff, v1  }
0x28: {  	v0 =	vadd.s32 $0x1400, v0;
	v1 =	vld [tilespmem:s19+$0x6000];
	_ =	sdelay $0x4  }
0x29: {  	[tilespmem:v0+s11+$0x0] =	vst.idx.add.f32.msk $0xffff, v1  }
0x2a: {  	v0 =	vld [tilespmem:s19+$0x10];
	_ =	sdelay $0x2  }
0x2b: {  	v1 =	vld [tilespmem:s19+$0x1010];
	_ =	sdelay $0x4  }
0x2c: {  	[tilespmem:v0+s11+$0x0] =	vst.idx.add.f32.msk $0xffff, v1  }
0x2d: {  	v52 =	vadd.s32 $0x400, v0;
	v1 =	vld [tilespmem:s19+$0x2010];
	_ =	sdelay $0x4  }
0x2e: {  	[tilespmem:v52+s11+$0x0] =	vst.idx.add.f32.msk $0xffff, v1  }
0x2f: {  	v53 =	vadd.s32 $0x800, v0;
	v1 =	vld [tilespmem:s19+$0x3010];
	_ =	sdelay $0x4  }
0x30: {  	[tilespmem:v53+s11+$0x0] =	vst.idx.add.f32.msk $0xffff, v1  }
0x31: {  	v54 =	vadd.s32 $0xC00, v0;
	v1 =	vld [tilespmem:s19+$0x4010];
	_ =	sdelay $0x4  }
0x32: {  	[tilespmem:v54+s11+$0x0] =	vst.idx.add.f32.msk $0xffff, v1  }
0x33: {  	v55 =	vadd.s32 $0x1000, v0;
	v1 =	vld [tilespmem:s19+$0x5010];
	_ =	sdelay $0x4  }
0x34: {  	[tilespmem:v55+s11+$0x0] =	vst.idx.add.f32.msk $0xffff, v1  }
0x35: {  	v0 =	vadd.s32 $0x1400, v0;
	v1 =	vld [tilespmem:s19+$0x6010];
	_ =	sdelay $0x4  }
0x36: {  	[tilespmem:v0+s11+$0x0] =	vst.idx.add.f32.msk $0xffff, v1  }
0x37: {  	v0 =	vld [tilespmem:s19+$0x20];
	_ =	sdelay $0x2  }
0x38: {  	v1 =	vld [tilespmem:s19+$0x1020];
	_ =	sdelay $0x4  }
0x39: {  	[tilespmem:v0+s11+$0x0] =	vst.idx.add.f32.msk $0xffff, v1  }
0x3a: {  	v56 =	vadd.s32 $0x400, v0;
	v1 =	vld [tilespmem:s19+$0x2020];
	_ =	sdelay $0x4  }
0x3b: {  	[tilespmem:v56+s11+$0x0] =	vst.idx.add.f32.msk $0xffff, v1  }
0x3c: {  	v57 =	vadd.s32 $0x800, v0;
	v1 =	vld [tilespmem:s19+$0x3020];
	_ =	sdelay $0x4  }
0x3d: {  	[tilespmem:v57+s11+$0x0] =	vst.idx.add.f32.msk $0xffff, v1  }
0x3e: {  	v58 =	vadd.s32 $0xC00, v0;
	v1 =	vld [tilespmem:s19+$0x4020];
	_ =	sdelay $0x4  }
0x3f: {  	[tilespmem:v58+s11+$0x0] =	vst.idx.add.f32.msk $0xffff, v1  }
0x40: {  	v59 =	vadd.s32 $0x1000, v0;
	v1 =	vld [tilespmem:s19+$0x5020];
	_ =	sdelay $0x4  }
0x41: {  	[tilespmem:v59+s11+$0x0] =	vst.idx.add.f32.msk $0xffff, v1  }
0x42: {  	v0 =	vadd.s32 $0x1400, v0;
	v1 =	vld [tilespmem:s19+$0x6020];
	_ =	sdelay $0x4  }
0x43: {  	[tilespmem:v0+s11+$0x0] =	vst.idx.add.f32.msk $0xffff, v1  }
0x44: {  	v0 =	vld [tilespmem:s19+$0x30];
	_ =	sdelay $0x2  }
0x45: {  	v1 =	vld [tilespmem:s19+$0x1030];
	_ =	sdelay $0x4  }
0x46: {  	[tilespmem:v0+s11+$0x0] =	vst.idx.add.f32.msk $0xffff, v1  }
0x47: {  	v60 =	vadd.s32 $0x400, v0;
	v1 =	vld [tilespmem:s19+$0x2030];
	_ =	sdelay $0x4  }
0x48: {  	[tilespmem:v60+s11+$0x0] =	vst.idx.add.f32.msk $0xffff, v1  }
0x49: {  	v61 =	vadd.s32 $0x800, v0;
	v1 =	vld [tilespmem:s19+$0x3030];
	_ =	sdelay $0x4  }
0x4a: {  	[tilespmem:v61+s11+$0x0] =	vst.idx.add.f32.msk $0xffff, v1  }
0x4b: {  	v62 =	vadd.s32 $0xC00, v0;
	v1 =	vld [tilespmem:s19+$0x4030];
	_ =	sdelay $0x4  }
0x4c: {  	[tilespmem:v62+s11+$0x0] =	vst.idx.add.f32.msk $0xffff, v1  }
0x4d: {  	v63 =	vadd.s32 $0x1000, v0;
	v1 =	vld [tilespmem:s19+$0x5030];
	_ =	sdelay $0x4  }
0x4e: {  	[tilespmem:v63+s11+$0x0] =	vst.idx.add.f32.msk $0xffff, v1  }
0x4f: {  	p0 =	sne.s32 s18, $0x3F00;
	v0 =	vadd.s32 $0x1400, v0;
	v1 =	vld [tilespmem:s19+$0x6030]  }
.Ltmp0:
0x50: {  	_ = 	snop;
	(pc) =	sbr.rel @p0 .LBB2_2-.Ltmp0, $2  }
0x51: {  	_ =	sdelay $0x2  }
0x52: {  	s18 =	sadd.s32 $0x100, s18;
	[tilespmem:v0+s11+$0x0] =	vst.idx.add.f32.msk $0xffff, v1  }
0x53: {  	s18 =	simm.s32 $0x0  }
0x54: {  	[tilespmem:s13], [sflag:$0x1] =	stream.linear.gather [hbm4b:s7+s18], $0x6000, $0x38;
	[tilespmem:$0x13000] =	vst v63  }
0x55: {  	_ =	swait.ge [sflag:s16], $0x6000  }
0x56: {  	[sflag:s16] =	ssyncset.done $0x0  }
0x57: {  	[sflag:s16] =	ssyncadd.s32 $0xFFFFA000  }
.LBB2_4:
0x58: {  	s19 =	sshra.s32 s18, $0x2  }
0x59: {  	v0 =	vld [tilespmem:s19+$0x0];
	_ =	sdelay $0x4  }
0x5a: {  	v1 =	vld [tilespmem:s19+$0x7000];
	v2 =	vadd.s32 $0x1800, v0;
	_ =	sdelay $0x4  }
0x5b: {  	[tilespmem:v2+s11+$0x0] =	vst.idx.add.f32.msk $0xffff, v1  }
0x5c: {  	v45 =	vadd.s32 $0x1C00, v0;
	v1 =	vld [tilespmem:s19+$0x8000];
	_ =	sdelay $0x4  }
0x5d: {  	[tilespmem:v45+s11+$0x0] =	vst.idx.add.f32.msk $0xffff, v1  }
0x5e: {  	v46 =	vadd.s32 $0x2000, v0;
	v1 =	vld [tilespmem:s19+$0x9000];
	_ =	sdelay $0x4  }
0x5f: {  	[tilespmem:v46+s11+$0x0] =	vst.idx.add.f32.msk $0xffff, v1  }
0x60: {  	v47 =	vadd.s32 $0x2400, v0;
	v1 =	vld [tilespmem:s19+$0xA000];
	_ =	sdelay $0x4  }
0x61: {  	[tilespmem:v47+s11+$0x0] =	vst.idx.add.f32.msk $0xffff, v1  }
0x62: {  	v48 =	vadd.s32 $0x2800, v0;
	v1 =	vld [tilespmem:s19+$0xB000];
	_ =	sdelay $0x4  }
0x63: {  	[tilespmem:v48+s11+$0x0] =	vst.idx.add.f32.msk $0xffff, v1  }
0x64: {  	v0 =	vadd.s32 $0x2C00, v0;
	v1 =	vld [tilespmem:s19+$0xC000];
	_ =	sdelay $0x4  }
0x65: {  	[tilespmem:v0+s11+$0x0] =	vst.idx.add.f32.msk $0xffff, v1  }
0x66: {  	v0 =	vld [tilespmem:s19+$0x10];
	_ =	sdelay $0x4  }
0x67: {  	v1 =	vld [tilespmem:s19+$0x7010];
	v49 =	vadd.s32 $0x1800, v0;
	_ =	sdelay $0x4  }
0x68: {  	[tilespmem:v49+s11+$0x0] =	vst.idx.add.f32.msk $0xffff, v1  }
0x69: {  	v50 =	vadd.s32 $0x1C00, v0;
	v1 =	vld [tilespmem:s19+$0x8010];
	_ =	sdelay $0x4  }
0x6a: {  	[tilespmem:v50+s11+$0x0] =	vst.idx.add.f32.msk $0xffff, v1  }
0x6b: {  	v51 =	vadd.s32 $0x2000, v0;
	v1 =	vld [tilespmem:s19+$0x9010];
	_ =	sdelay $0x4  }
0x6c: {  	[tilespmem:v51+s11+$0x0] =	vst.idx.add.f32.msk $0xffff, v1  }
0x6d: {  	v52 =	vadd.s32 $0x2400, v0;
	v1 =	vld [tilespmem:s19+$0xA010];
	_ =	sdelay $0x4  }
0x6e: {  	[tilespmem:v52+s11+$0x0] =	vst.idx.add.f32.msk $0xffff, v1  }
0x6f: {  	v53 =	vadd.s32 $0x2800, v0;
	v1 =	vld [tilespmem:s19+$0xB010];
	_ =	sdelay $0x4  }
0x70: {  	[tilespmem:v53+s11+$0x0] =	vst.idx.add.f32.msk $0xffff, v1  }
0x71: {  	v0 =	vadd.s32 $0x2C00, v0;
	v1 =	vld [tilespmem:s19+$0xC010];
	_ =	sdelay $0x4  }
0x72: {  	[tilespmem:v0+s11+$0x0] =	vst.idx.add.f32.msk $0xffff, v1  }
0x73: {  	v0 =	vld [tilespmem:s19+$0x20];
	_ =	sdelay $0x4  }
0x74: {  	v1 =	vld [tilespmem:s19+$0x7020];
	v54 =	vadd.s32 $0x1800, v0;
	_ =	sdelay $0x4  }
0x75: {  	[tilespmem:v54+s11+$0x0] =	vst.idx.add.f32.msk $0xffff, v1  }
0x76: {  	v55 =	vadd.s32 $0x1C00, v0;
	v1 =	vld [tilespmem:s19+$0x8020];
	_ =	sdelay $0x4  }
0x77: {  	[tilespmem:v55+s11+$0x0] =	vst.idx.add.f32.msk $0xffff, v1  }
0x78: {  	v56 =	vadd.s32 $0x2000, v0;
	v1 =	vld [tilespmem:s19+$0x9020];
	_ =	sdelay $0x4  }
0x79: {  	[tilespmem:v56+s11+$0x0] =	vst.idx.add.f32.msk $0xffff, v1  }
0x7a: {  	v57 =	vadd.s32 $0x2400, v0;
	v1 =	vld [tilespmem:s19+$0xA020];
	_ =	sdelay $0x4  }
0x7b: {  	[tilespmem:v57+s11+$0x0] =	vst.idx.add.f32.msk $0xffff, v1  }
0x7c: {  	v58 =	vadd.s32 $0x2800, v0;
	v1 =	vld [tilespmem:s19+$0xB020];
	_ =	sdelay $0x4  }
0x7d: {  	[tilespmem:v58+s11+$0x0] =	vst.idx.add.f32.msk $0xffff, v1  }
0x7e: {  	v0 =	vadd.s32 $0x2C00, v0;
	v1 =	vld [tilespmem:s19+$0xC020];
	_ =	sdelay $0x4  }
0x7f: {  	[tilespmem:v0+s11+$0x0] =	vst.idx.add.f32.msk $0xffff, v1  }
0x80: {  	v0 =	vld [tilespmem:s19+$0x30];
	_ =	sdelay $0x4  }
0x81: {  	v1 =	vld [tilespmem:s19+$0x7030];
	v59 =	vadd.s32 $0x1800, v0;
	_ =	sdelay $0x4  }
0x82: {  	[tilespmem:v59+s11+$0x0] =	vst.idx.add.f32.msk $0xffff, v1  }
0x83: {  	v60 =	vadd.s32 $0x1C00, v0;
	v1 =	vld [tilespmem:s19+$0x8030];
	_ =	sdelay $0x4  }
0x84: {  	[tilespmem:v60+s11+$0x0] =	vst.idx.add.f32.msk $0xffff, v1  }
0x85: {  	v61 =	vadd.s32 $0x2000, v0;
	v1 =	vld [tilespmem:s19+$0x9030];
	_ =	sdelay $0x4  }
0x86: {  	[tilespmem:v61+s11+$0x0] =	vst.idx.add.f32.msk $0xffff, v1  }
0x87: {  	v62 =	vadd.s32 $0x2400, v0;
	v1 =	vld [tilespmem:s19+$0xA030];
	_ =	sdelay $0x4  }
0x88: {  	[tilespmem:v62+s11+$0x0] =	vst.idx.add.f32.msk $0xffff, v1  }
0x89: {  	v63 =	vadd.s32 $0x2800, v0;
	v1 =	vld [tilespmem:s19+$0xB030];
	_ =	sdelay $0x4  }
0x8a: {  	[tilespmem:v63+s11+$0x0] =	vst.idx.add.f32.msk $0xffff, v1  }
0x8b: {  	p0 =	sne.s32 s18, $0x3F00;
	v0 =	vadd.s32 $0x2C00, v0;
	v1 =	vld [tilespmem:s19+$0xC030]  }
.Ltmp1:
0x8c: {  	_ = 	snop;
	(pc) =	sbr.rel @p0 .LBB2_4-.Ltmp1, $2  }
0x8d: {  	_ =	sdelay $0x2  }
0x8e: {  	s18 =	sadd.s32 $0x100, s18;
	[tilespmem:v0+s11+$0x0] =	vst.idx.add.f32.msk $0xffff, v1  }
0x8f: {  	s18 =	simm.s32 $0x0  }
0x90: {  	[tilespmem:s14], [sflag:$0x2] =	stream.linear.gather [hbm4b:s8+s18], $0x6000, $0x38;
	[tilespmem:$0x13000] =	vst v63  }
0x91: {  	_ =	swait.ge [sflag:s15], $0x6000  }
0x92: {  	[sflag:s15] =	ssyncset.done $0x0  }
0x93: {  	[sflag:s15] =	ssyncadd.s32 $0xFFFFA000  }
.LBB2_6:
0x94: {  	s19 =	sshra.s32 s18, $0x2  }
0x95: {  	v0 =	vld [tilespmem:s19+$0x0];
	_ =	sdelay $0x4  }
0x96: {  	v1 =	vld [tilespmem:s19+$0x1000];
	v2 =	vadd.s32 $0x3000, v0;
	_ =	sdelay $0x4  }
0x97: {  	[tilespmem:v2+s11+$0x0] =	vst.idx.add.f32.msk $0xffff, v1  }
0x98: {  	v45 =	vadd.s32 $0x3400, v0;
	v1 =	vld [tilespmem:s19+$0x2000];
	_ =	sdelay $0x4  }
0x99: {  	[tilespmem:v45+s11+$0x0] =	vst.idx.add.f32.msk $0xffff, v1  }
0x9a: {  	v46 =	vadd.s32 $0x3800, v0;
	v1 =	vld [tilespmem:s19+$0x3000];
	_ =	sdelay $0x4  }
0x9b: {  	[tilespmem:v46+s11+$0x0] =	vst.idx.add.f32.msk $0xffff, v1  }
0x9c: {  	v47 =	vadd.s32 $0x3C00, v0;
	v1 =	vld [tilespmem:s19+$0x4000];
	_ =	sdelay $0x4  }
0x9d: {  	[tilespmem:v47+s11+$0x0] =	vst.idx.add.f32.msk $0xffff, v1  }
0x9e: {  	v48 =	vadd.s32 $0x4000, v0;
	v1 =	vld [tilespmem:s19+$0x5000];
	_ =	sdelay $0x4  }
0x9f: {  	[tilespmem:v48+s11+$0x0] =	vst.idx.add.f32.msk $0xffff, v1  }
0xa0: {  	v0 =	vadd.s32 $0x4400, v0;
	v1 =	vld [tilespmem:s19+$0x6000];
	_ =	sdelay $0x4  }
0xa1: {  	[tilespmem:v0+s11+$0x0] =	vst.idx.add.f32.msk $0xffff, v1  }
0xa2: {  	v0 =	vld [tilespmem:s19+$0x10];
	_ =	sdelay $0x4  }
0xa3: {  	v1 =	vld [tilespmem:s19+$0x1010];
	v49 =	vadd.s32 $0x3000, v0;
	_ =	sdelay $0x4  }
0xa4: {  	[tilespmem:v49+s11+$0x0] =	vst.idx.add.f32.msk $0xffff, v1  }
0xa5: {  	v50 =	vadd.s32 $0x3400, v0;
	v1 =	vld [tilespmem:s19+$0x2010];
	_ =	sdelay $0x4  }
0xa6: {  	[tilespmem:v50+s11+$0x0] =	vst.idx.add.f32.msk $0xffff, v1  }
0xa7: {  	v51 =	vadd.s32 $0x3800, v0;
	v1 =	vld [tilespmem:s19+$0x3010];
	_ =	sdelay $0x4  }
0xa8: {  	[tilespmem:v51+s11+$0x0] =	vst.idx.add.f32.msk $0xffff, v1  }
0xa9: {  	v52 =	vadd.s32 $0x3C00, v0;
	v1 =	vld [tilespmem:s19+$0x4010];
	_ =	sdelay $0x4  }
0xaa: {  	[tilespmem:v52+s11+$0x0] =	vst.idx.add.f32.msk $0xffff, v1  }
0xab: {  	v53 =	vadd.s32 $0x4000, v0;
	v1 =	vld [tilespmem:s19+$0x5010];
	_ =	sdelay $0x4  }
0xac: {  	[tilespmem:v53+s11+$0x0] =	vst.idx.add.f32.msk $0xffff, v1  }
0xad: {  	v0 =	vadd.s32 $0x4400, v0;
	v1 =	vld [tilespmem:s19+$0x6010];
	_ =	sdelay $0x4  }
0xae: {  	[tilespmem:v0+s11+$0x0] =	vst.idx.add.f32.msk $0xffff, v1  }
0xaf: {  	v0 =	vld [tilespmem:s19+$0x20];
	_ =	sdelay $0x4  }
0xb0: {  	v1 =	vld [tilespmem:s19+$0x1020];
	v54 =	vadd.s32 $0x3000, v0;
	_ =	sdelay $0x4  }
0xb1: {  	[tilespmem:v54+s11+$0x0] =	vst.idx.add.f32.msk $0xffff, v1  }
0xb2: {  	v55 =	vadd.s32 $0x3400, v0;
	v1 =	vld [tilespmem:s19+$0x2020];
	_ =	sdelay $0x4  }
0xb3: {  	[tilespmem:v55+s11+$0x0] =	vst.idx.add.f32.msk $0xffff, v1  }
0xb4: {  	v56 =	vadd.s32 $0x3800, v0;
	v1 =	vld [tilespmem:s19+$0x3020];
	_ =	sdelay $0x4  }
0xb5: {  	[tilespmem:v56+s11+$0x0] =	vst.idx.add.f32.msk $0xffff, v1  }
0xb6: {  	v57 =	vadd.s32 $0x3C00, v0;
	v1 =	vld [tilespmem:s19+$0x4020];
	_ =	sdelay $0x4  }
0xb7: {  	[tilespmem:v57+s11+$0x0] =	vst.idx.add.f32.msk $0xffff, v1  }
0xb8: {  	v58 =	vadd.s32 $0x4000, v0;
	v1 =	vld [tilespmem:s19+$0x5020];
	_ =	sdelay $0x4  }
0xb9: {  	[tilespmem:v58+s11+$0x0] =	vst.idx.add.f32.msk $0xffff, v1  }
0xba: {  	v0 =	vadd.s32 $0x4400, v0;
	v1 =	vld [tilespmem:s19+$0x6020];
	_ =	sdelay $0x4  }
0xbb: {  	[tilespmem:v0+s11+$0x0] =	vst.idx.add.f32.msk $0xffff, v1  }
0xbc: {  	v0 =	vld [tilespmem:s19+$0x30];
	_ =	sdelay $0x4  }
0xbd: {  	v1 =	vld [tilespmem:s19+$0x1030];
	v59 =	vadd.s32 $0x3000, v0;
	_ =	sdelay $0x4  }
0xbe: {  	[tilespmem:v59+s11+$0x0] =	vst.idx.add.f32.msk $0xffff, v1  }
0xbf: {  	v60 =	vadd.s32 $0x3400, v0;
	v1 =	vld [tilespmem:s19+$0x2030];
	_ =	sdelay $0x4  }
0xc0: {  	[tilespmem:v60+s11+$0x0] =	vst.idx.add.f32.msk $0xffff, v1  }
0xc1: {  	v61 =	vadd.s32 $0x3800, v0;
	v1 =	vld [tilespmem:s19+$0x3030];
	_ =	sdelay $0x4  }
0xc2: {  	[tilespmem:v61+s11+$0x0] =	vst.idx.add.f32.msk $0xffff, v1  }
0xc3: {  	v62 =	vadd.s32 $0x3C00, v0;
	v1 =	vld [tilespmem:s19+$0x4030];
	_ =	sdelay $0x4  }
0xc4: {  	[tilespmem:v62+s11+$0x0] =	vst.idx.add.f32.msk $0xffff, v1  }
0xc5: {  	v63 =	vadd.s32 $0x4000, v0;
	v1 =	vld [tilespmem:s19+$0x5030];
	_ =	sdelay $0x4  }
0xc6: {  	[tilespmem:v63+s11+$0x0] =	vst.idx.add.f32.msk $0xffff, v1  }
0xc7: {  	p0 =	sne.s32 s18, $0x3F00;
	v0 =	vadd.s32 $0x4400, v0;
	v1 =	vld [tilespmem:s19+$0x6030]  }
.Ltmp2:
0xc8: {  	_ = 	snop;
	(pc) =	sbr.rel @p0 .LBB2_6-.Ltmp2, $2  }
0xc9: {  	_ =	sdelay $0x2  }
0xca: {  	s18 =	sadd.s32 $0x100, s18;
	[tilespmem:v0+s11+$0x0] =	vst.idx.add.f32.msk $0xffff, v1  }
0xcb: {  	_ =	swait.ge [sflag:s16], $0x6000  }
0xcc: {  	[sflag:s16] =	ssyncset.done $0x0  }
0xcd: {  	s18 =	simm.s32 $0x0;
	[sflag:s16] =	ssyncadd.s32 $0xFFFFA000  }
.LBB2_8:
0xce: {  	s19 =	sshra.s32 s18, $0x2  }
0xcf: {  	v0 =	vld [tilespmem:s19+$0x0];
	_ =	sdelay $0x4  }
0xd0: {  	v1 =	vld [tilespmem:s19+$0x7000];
	v2 =	vadd.s32 $0x4800, v0;
	_ =	sdelay $0x4  }
0xd1: {  	[tilespmem:v2+s11+$0x0] =	vst.idx.add.f32.msk $0xffff, v1  }
0xd2: {  	v45 =	vadd.s32 $0x4C00, v0;
	v1 =	vld [tilespmem:s19+$0x8000];
	_ =	sdelay $0x4  }
0xd3: {  	[tilespmem:v45+s11+$0x0] =	vst.idx.add.f32.msk $0xffff, v1  }
0xd4: {  	v46 =	vadd.s32 $0x5000, v0;
	v1 =	vld [tilespmem:s19+$0x9000];
	_ =	sdelay $0x4  }
0xd5: {  	[tilespmem:v46+s11+$0x0] =	vst.idx.add.f32.msk $0xffff, v1  }
0xd6: {  	v47 =	vadd.s32 $0x5400, v0;
	v1 =	vld [tilespmem:s19+$0xA000];
	_ =	sdelay $0x4  }
0xd7: {  	[tilespmem:v47+s11+$0x0] =	vst.idx.add.f32.msk $0xffff, v1  }
0xd8: {  	v48 =	vadd.s32 $0x5800, v0;
	v1 =	vld [tilespmem:s19+$0xB000];
	_ =	sdelay $0x4  }
0xd9: {  	[tilespmem:v48+s11+$0x0] =	vst.idx.add.f32.msk $0xffff, v1  }
0xda: {  	v0 =	vadd.s32 $0x5C00, v0;
	v1 =	vld [tilespmem:s19+$0xC000];
	_ =	sdelay $0x4  }
0xdb: {  	[tilespmem:v0+s11+$0x0] =	vst.idx.add.f32.msk $0xffff, v1  }
0xdc: {  	v0 =	vld [tilespmem:s19+$0x10];
	_ =	sdelay $0x4  }
0xdd: {  	v1 =	vld [tilespmem:s19+$0x7010];
	v49 =	vadd.s32 $0x4800, v0;
	_ =	sdelay $0x4  }
0xde: {  	[tilespmem:v49+s11+$0x0] =	vst.idx.add.f32.msk $0xffff, v1  }
0xdf: {  	v50 =	vadd.s32 $0x4C00, v0;
	v1 =	vld [tilespmem:s19+$0x8010];
	_ =	sdelay $0x4  }
0xe0: {  	[tilespmem:v50+s11+$0x0] =	vst.idx.add.f32.msk $0xffff, v1  }
0xe1: {  	v51 =	vadd.s32 $0x5000, v0;
	v1 =	vld [tilespmem:s19+$0x9010];
	_ =	sdelay $0x4  }
0xe2: {  	[tilespmem:v51+s11+$0x0] =	vst.idx.add.f32.msk $0xffff, v1  }
0xe3: {  	v52 =	vadd.s32 $0x5400, v0;
	v1 =	vld [tilespmem:s19+$0xA010];
	_ =	sdelay $0x4  }
0xe4: {  	[tilespmem:v52+s11+$0x0] =	vst.idx.add.f32.msk $0xffff, v1  }
0xe5: {  	v53 =	vadd.s32 $0x5800, v0;
	v1 =	vld [tilespmem:s19+$0xB010];
	_ =	sdelay $0x4  }
0xe6: {  	[tilespmem:v53+s11+$0x0] =	vst.idx.add.f32.msk $0xffff, v1  }
0xe7: {  	v0 =	vadd.s32 $0x5C00, v0;
	v1 =	vld [tilespmem:s19+$0xC010];
	_ =	sdelay $0x4  }
0xe8: {  	[tilespmem:v0+s11+$0x0] =	vst.idx.add.f32.msk $0xffff, v1  }
0xe9: {  	v0 =	vld [tilespmem:s19+$0x20];
	_ =	sdelay $0x4  }
0xea: {  	v1 =	vld [tilespmem:s19+$0x7020];
	v54 =	vadd.s32 $0x4800, v0;
	_ =	sdelay $0x4  }
0xeb: {  	[tilespmem:v54+s11+$0x0] =	vst.idx.add.f32.msk $0xffff, v1  }
0xec: {  	v55 =	vadd.s32 $0x4C00, v0;
	v1 =	vld [tilespmem:s19+$0x8020];
	_ =	sdelay $0x4  }
0xed: {  	[tilespmem:v55+s11+$0x0] =	vst.idx.add.f32.msk $0xffff, v1  }
0xee: {  	v56 =	vadd.s32 $0x5000, v0;
	v1 =	vld [tilespmem:s19+$0x9020];
	_ =	sdelay $0x4  }
0xef: {  	[tilespmem:v56+s11+$0x0] =	vst.idx.add.f32.msk $0xffff, v1  }
0xf0: {  	v57 =	vadd.s32 $0x5400, v0;
	v1 =	vld [tilespmem:s19+$0xA020];
	_ =	sdelay $0x4  }
0xf1: {  	[tilespmem:v57+s11+$0x0] =	vst.idx.add.f32.msk $0xffff, v1  }
0xf2: {  	v58 =	vadd.s32 $0x5800, v0;
	v1 =	vld [tilespmem:s19+$0xB020];
	_ =	sdelay $0x4  }
0xf3: {  	[tilespmem:v58+s11+$0x0] =	vst.idx.add.f32.msk $0xffff, v1  }
0xf4: {  	v0 =	vadd.s32 $0x5C00, v0;
	v1 =	vld [tilespmem:s19+$0xC020];
	_ =	sdelay $0x4  }
0xf5: {  	[tilespmem:v0+s11+$0x0] =	vst.idx.add.f32.msk $0xffff, v1  }
0xf6: {  	v0 =	vld [tilespmem:s19+$0x30];
	_ =	sdelay $0x4  }
0xf7: {  	v1 =	vld [tilespmem:s19+$0x7030];
	v59 =	vadd.s32 $0x4800, v0;
	_ =	sdelay $0x4  }
0xf8: {  	[tilespmem:v59+s11+$0x0] =	vst.idx.add.f32.msk $0xffff, v1  }
0xf9: {  	v60 =	vadd.s32 $0x4C00, v0;
	v1 =	vld [tilespmem:s19+$0x8030];
	_ =	sdelay $0x4  }
0xfa: {  	[tilespmem:v60+s11+$0x0] =	vst.idx.add.f32.msk $0xffff, v1  }
0xfb: {  	v61 =	vadd.s32 $0x5000, v0;
	v1 =	vld [tilespmem:s19+$0x9030];
	_ =	sdelay $0x4  }
0xfc: {  	[tilespmem:v61+s11+$0x0] =	vst.idx.add.f32.msk $0xffff, v1  }
0xfd: {  	v62 =	vadd.s32 $0x5400, v0;
	v1 =	vld [tilespmem:s19+$0xA030];
	_ =	sdelay $0x4  }
0xfe: {  	[tilespmem:v62+s11+$0x0] =	vst.idx.add.f32.msk $0xffff, v1  }
0xff: {  	v63 =	vadd.s32 $0x5800, v0;
	v1 =	vld [tilespmem:s19+$0xB030];
	_ =	sdelay $0x4  }
0x100: {  	[tilespmem:v63+s11+$0x0] =	vst.idx.add.f32.msk $0xffff, v1  }
0x101: {  	p0 =	sne.s32 s18, $0x3F00;
	v0 =	vadd.s32 $0x5C00, v0;
	v1 =	vld [tilespmem:s19+$0xC030]  }
.Ltmp3:
0x102: {  	_ = 	snop;
	(pc) =	sbr.rel @p0 .LBB2_8-.Ltmp3, $2  }
0x103: {  	_ =	sdelay $0x2  }
0x104: {  	s18 =	sadd.s32 $0x100, s18;
	[tilespmem:v0+s11+$0x0] =	vst.idx.add.f32.msk $0xffff, v1  }
0x105: {  	s17 =	sadd.s32 $0x1, s17  }
0x106: {  	p0 =	sne.s32 s17, s10  }
.Ltmp4:
0x107: {  	_ = 	snop;
	(pc) =	sbr.rel @p0 .LBB2_1-.Ltmp4, $4  }
0x108: {  	[hbm4b:s9+s2] =	stream.linear.scatter [tilespmem:s11], [sflag:$0x3], $0x6000, $0x38;
	[tilespmem:$0x13000] =	vst v63  }
0x109: {  	_ =	swait.ge [sflag:s12], $0x6000  }
0x10a: {  	[sflag:s12] =	ssyncset.done $0x0  }
0x10b: {  	[sflag:s12] =	ssyncadd.s32 $0xFFFFA000  }
0x10c: {  	_ =	sfence.sel $0x180000  }
0x10d: {  	[bflag:$0x0] =	sbarrier.arrive $0xFFFF  }
0x10e: {  	p0 =	sne.s32 s1, $0x0;
	_ =	strace $0x90000047  }
0x10f: {  	s0 =	sadd.s32 @!p0 $0x100000, s0;
	[bflag:$0x2] =	sbarrier.arrive $0xFFFF  }
0x110: {  	[sflag:s0] =	ssyncadd.tile.s32 @!p0 $0x1;
	_ =	shalt  }
.Lfunc_end2:
_tile_overlayer_lowered:
.L_overlay_start_2:
0x111: {  	(tag) =	ssettag $0x2  }
0x112: {  	s0 =	rddreg [dreg:$0x0];
	s2 =	stileid.u32  }
0x113: {  	s1 =	rddreg [dreg:$0x1];
	p0 =	sne.s32 s2, $0x0  }
0x114: {  	s3 =	rddreg [dreg:$0x2];
	[bflag:$0x3] =	sbarrier.arrive $0xFFFF;
	s2 =	simm.s32 @!p0 $0x1C03  }
0x115: {  	[timem:s3], [sflag:s2] =	dma.local @!p0 [hbm:s0], s1  }
0x116: {  	s0 =	simm.s32 @!p0 $0x3  }
0x117: {  	_ =	swait.ge @!p0 [sflag:s0], s1  }
0x118: {  	s1 =	ssub.s32 @!p0 $0x0, s1;
	[sflag:s0] =	ssyncset.done @!p0 $0x0  }
0x119: {  	[sflag:s0] =	ssyncadd.s32 @!p0 s1  }
0x11a: {  	[bflag:$0x3] =	sbarrier.arrive $0xFFFF  }
0x11b: {  	_ =	shalt  }

</sc_bundles>
